<compile_context>
chip_gen: v7x
topology: tpu7x:2x2x1
jax: 0.10.2.dev20260603
libtpu: 0.0.44.dev20260713+nightly
codegen_flags: <defaults>
</compile_context>

<pallas_src>
import functools

import jax
import jax.numpy as jnp
from jax import lax
from jax.experimental import pallas as pl
from jax.experimental.pallas import tpu as pltpu
from jax.experimental.pallas import tpu_sc as plsc

N = 10000
E = 320000
D_IN = 128
D_HID = 128
D_OUT = 2
EPS = 1e-5

NC = 2
NS = 16
CH = 128
NCHUNK = 79
EPT = CH * NCHUNK
EP = EPT * NC * NS
DUMMY = N
NPAD = 10240
ZROWS = NPAD // NS
OROWS = 624
OTAIL = N - OROWS * NS

_f32 = jnp.float32
_mesh = plsc.VectorSubcoreMesh(core_axis_name="c", subcore_axis_name="s")


def _make_prop(width):

  @functools.partial(
      pl.kernel,
      out_type=jax.ShapeDtypeStruct((NC, N, width), _f32),
      mesh=_mesh,
      compiler_params=pltpu.CompilerParams(use_tc_tiling_on_sc=False),
      scratch_types=[
          pltpu.VMEM_SHARED((NPAD, width), _f32),
          pltpu.VMEM((CH,), jnp.int32),
          pltpu.VMEM((CH,), jnp.int32),
          pltpu.VMEM((CH, width), _f32),
          pltpu.SemaphoreType.DMA,
      ],
  )
  def prop(src_hbm, dst_hbm, rows_hbm, zeros_hbm, out_hbm,
           acc, src_v, dst_v, rows_v, sem):
    c = lax.axis_index("c")
    s = lax.axis_index("s")
    wid = c * NS + s
    pltpu.sync_copy(zeros_hbm, acc.at[pl.ds(s * ZROWS, ZROWS)])
    plsc.subcore_barrier()

    def body(j, carry):
      base = wid * EPT + j * CH
      pltpu.sync_copy(src_hbm.at[pl.ds(base, CH)], src_v)
      pltpu.sync_copy(dst_hbm.at[pl.ds(base, CH)], dst_v)
      pltpu.async_copy(rows_hbm.at[src_v], rows_v, sem).wait()
      pltpu.sync_copy(rows_v, acc.at[dst_v], add=True)
      return carry

    lax.fori_loop(0, NCHUNK, body, 0)
    plsc.subcore_barrier()
    pltpu.sync_copy(acc.at[pl.ds(s * OROWS, OROWS)],
                    out_hbm.at[c, pl.ds(s * OROWS, OROWS)])

    @pl.when(s == NS - 1)
    def _():
      pltpu.sync_copy(acc.at[pl.ds(NS * OROWS, OTAIL)],
                      out_hbm.at[c, pl.ds(NS * OROWS, OTAIL)])

  return prop


@functools.partial(
    pl.kernel,
    out_type=jax.ShapeDtypeStruct((NC, N, 8), _f32),
    mesh=_mesh,
    compiler_params=pltpu.CompilerParams(use_tc_tiling_on_sc=False),
    scratch_types=[
        pltpu.VMEM_SHARED((NPAD, 8), _f32),
        pltpu.VMEM((CH,), jnp.int32),
        pltpu.VMEM((CH, 8), _f32),
    ],
)
def _deg_kernel(dst_hbm, ones_hbm, zeros_hbm, out_hbm, acc, dst_v, ones_v):
  c = lax.axis_index("c")
  s = lax.axis_index("s")
  wid = c * NS + s
  pltpu.sync_copy(zeros_hbm, acc.at[pl.ds(s * ZROWS, ZROWS)])
  pltpu.sync_copy(ones_hbm, ones_v)
  plsc.subcore_barrier()

  def body(j, carry):
    base = wid * EPT + j * CH
    pltpu.sync_copy(dst_hbm.at[pl.ds(base, CH)], dst_v)
    pltpu.sync_copy(ones_v, acc.at[dst_v], add=True)
    return carry

  lax.fori_loop(0, NCHUNK, body, 0)
  plsc.subcore_barrier()
  pltpu.sync_copy(acc.at[pl.ds(s * OROWS, OROWS)],
                  out_hbm.at[c, pl.ds(s * OROWS, OROWS)])

  @pl.when(s == NS - 1)
  def _():
    pltpu.sync_copy(acc.at[pl.ds(NS * OROWS, OTAIL)],
                    out_hbm.at[c, pl.ds(NS * OROWS, OTAIL)])


_prop128 = _make_prop(D_HID)
_prop8 = _make_prop(8)

BLK = 1000
GRID = N // BLK


def _dinv_of(deg_ref):
  deg = deg_ref[0, :, 0] + deg_ref[1, :, 0] + 1.0
  return lax.rsqrt(deg)


def _prep1_body(deg_ref, u_ref, w1_ref, g1_ref):
  dinv = _dinv_of(deg_ref)
  h = jnp.dot(u_ref[...], w1_ref[...], preferred_element_type=_f32)
  g1_ref[...] = h * dinv[:, None]


def _s1_block(deg_ref, acc_ref, g1_ref, b1_ref):
  dinv = _dinv_of(deg_ref)
  s1 = dinv[:, None] * (acc_ref[0] + acc_ref[1] + g1_ref[...]) + b1_ref[...]
  return dinv, s1


def _stats1_body(deg_ref, acc_ref, g1_ref, b1_ref, st_ref):
  _, s1 = _s1_block(deg_ref, acc_ref, g1_ref, b1_ref)
  pid = pl.program_id(0)

  @pl.when(pid == 0)
  def _():
    st_ref[...] = jnp.zeros_like(st_ref)

  upd = jnp.concatenate(
      [jnp.sum(s1, axis=0)[None], jnp.sum(s1 * s1, axis=0)[None],
       jnp.zeros((6, s1.shape[1]), _f32)], axis=0)
  st_ref[...] += upd


def _apply1_body(deg_ref, acc_ref, g1_ref, b1_ref, st_ref, gam_ref, bet_ref,
                 w2_ref, g2_ref):
  dinv, s1 = _s1_block(deg_ref, acc_ref, g1_ref, b1_ref)
  mean = st_ref[0:1, :] / N
  var = st_ref[1:2, :] / N - mean * mean
  xh = (s1 - mean) * lax.rsqrt(var + EPS)
  r = jnp.maximum(gam_ref[...] * xh + bet_ref[...], 0.0)
  h2 = jnp.dot(r, w2_ref[...], preferred_element_type=_f32)
  g2_ref[...] = h2 * dinv[:, None]


def _s2_block(deg_ref, acc_ref, g2_ref, b2_ref):
  dinv = _dinv_of(deg_ref)
  return dinv[:, None] * (acc_ref[0] + acc_ref[1] + g2_ref[...]) + b2_ref[...]


def _stats2_body(deg_ref, acc_ref, g2_ref, b2_ref, st_ref):
  s2 = _s2_block(deg_ref, acc_ref, g2_ref, b2_ref)
  pid = pl.program_id(0)

  @pl.when(pid == 0)
  def _():
    st_ref[...] = jnp.zeros_like(st_ref)

  upd = jnp.concatenate(
      [jnp.sum(s2, axis=0)[None], jnp.sum(s2 * s2, axis=0)[None],
       jnp.zeros((6, s2.shape[1]), _f32)], axis=0)
  st_ref[...] += upd


def _apply2_body(deg_ref, acc_ref, g2_ref, b2_ref, st_ref, gam_ref, bet_ref,
                 sig_ref, sm_ref):
  s2 = _s2_block(deg_ref, acc_ref, g2_ref, b2_ref)
  mean = st_ref[0:1, :] / N
  var = st_ref[1:2, :] / N - mean * mean
  xh = (s2 - mean) * lax.rsqrt(var + EPS)
  y = gam_ref[...] * xh + bet_ref[...]
  sig_ref[...] = 1.0 / (1.0 + jnp.exp(-y))
  a = y[:, 0:1]
  b = y[:, 1:2]
  m = jnp.maximum(a, b)
  ea = jnp.exp(a - m)
  eb = jnp.exp(b - m)
  tot = ea + eb
  sm_ref[...] = jnp.concatenate(
      [ea / tot, eb / tot, jnp.zeros((y.shape[0], 6), _f32)], axis=1)


def _row_spec(width):
  return pl.BlockSpec((BLK, width), lambda i: (i, 0))


_deg_spec = pl.BlockSpec((NC, BLK, 8), lambda i: (0, i, 0))
_full = lambda shape: pl.BlockSpec(shape, lambda i: tuple(0 for _ in shape))

_prep1 = pl.pallas_call(
    _prep1_body,
    grid=(GRID,),
    in_specs=[_deg_spec, _row_spec(D_IN), _full((D_IN, D_HID))],
    out_specs=_row_spec(D_HID),
    out_shape=jax.ShapeDtypeStruct((N, D_HID), _f32),
)

_stats1 = pl.pallas_call(
    _stats1_body,
    grid=(GRID,),
    in_specs=[_deg_spec, pl.BlockSpec((NC, BLK, D_HID), lambda i: (0, i, 0)),
              _row_spec(D_HID), _full((1, D_HID))],
    out_specs=_full((8, D_HID)),
    out_shape=jax.ShapeDtypeStruct((8, D_HID), _f32),
)

_apply1 = pl.pallas_call(
    _apply1_body,
    grid=(GRID,),
    in_specs=[_deg_spec, pl.BlockSpec((NC, BLK, D_HID), lambda i: (0, i, 0)),
              _row_spec(D_HID), _full((1, D_HID)), _full((8, D_HID)),
              _full((1, D_HID)), _full((1, D_HID)), _full((D_HID, 8))],
    out_specs=_row_spec(8),
    out_shape=jax.ShapeDtypeStruct((N, 8), _f32),
)

_stats2 = pl.pallas_call(
    _stats2_body,
    grid=(GRID,),
    in_specs=[_deg_spec, pl.BlockSpec((NC, BLK, 8), lambda i: (0, i, 0)),
              _row_spec(8), _full((1, 8))],
    out_specs=_full((8, 8)),
    out_shape=jax.ShapeDtypeStruct((8, 8), _f32),
)

_apply2 = pl.pallas_call(
    _apply2_body,
    grid=(GRID,),
    in_specs=[_deg_spec, pl.BlockSpec((NC, BLK, 8), lambda i: (0, i, 0)),
              _row_spec(8), _full((1, 8)), _full((8, 8)),
              _full((1, 8)), _full((1, 8))],
    out_specs=[_row_spec(8), _row_spec(8)],
    out_shape=[jax.ShapeDtypeStruct((N, 8), _f32),
               jax.ShapeDtypeStruct((N, 8), _f32)],
)


@jax.jit
def kernel(edge_index, u_S, W1, b1, gamma1, beta1, W2, b2, gamma2, beta2):
  pad = EP - E
  src = jnp.concatenate([edge_index[0], jnp.zeros((pad,), jnp.int32)])
  dst = jnp.concatenate([edge_index[1], jnp.full((pad,), DUMMY, jnp.int32)])

  ones8 = jnp.ones((CH, 8), _f32)
  zeros8 = jnp.zeros((ZROWS, 8), _f32)
  zeros128 = jnp.zeros((ZROWS, D_HID), _f32)

  deg2 = _deg_kernel(dst, ones8, zeros8)

  w1 = W1.astype(_f32)
  g1 = _prep1(deg2, u_S, w1)
  acc1 = _prop128(src, dst, g1, zeros128)

  b1r = b1.reshape(1, D_HID)
  st1 = _stats1(deg2, acc1, g1, b1r)
  w2p = jnp.concatenate([W2, jnp.zeros((D_HID, 8 - D_OUT), _f32)], axis=1)
  g2 = _apply1(deg2, acc1, g1, b1r, st1, gamma1.reshape(1, -1),
               beta1.reshape(1, -1), w2p)

  acc2 = _prop8(src, dst, g2, zeros8)

  pad2 = lambda v: jnp.concatenate([v, jnp.zeros((8 - D_OUT,), _f32)]).reshape(1, 8)
  b2r = pad2(b2)
  st2 = _stats2(deg2, acc2, g2, b2r)
  sig, sm = _apply2(deg2, acc2, g2, b2r, st2, pad2(gamma2), pad2(beta2))
  return sig[:, :D_OUT], sm[:, :D_OUT]

# --- scband reference (transcript-rebuilt; emitter-appended) ---
"""Pipeline reference for scband-s-decoder-12137577578919 (READ-ONLY COPY).

The authoritative reference and input builder live on the scoring server;
editing this copy changes nothing except your own understanding.
"""

import jax, jax.numpy as jnp
import numpy as np

N = 10000
E = 320000
D_IN = 128
D_HID = 128
D_OUT = 2
EPS = 1e-5


def gcn_conv(x, edge_index, W, b, n_nodes):
    # PyG GCNConv: h = x @ W; add self-loops; sym-normalized scatter-add; + bias
    src = edge_index[0]
    dst = edge_index[1]
    loop = jnp.arange(n_nodes, dtype=edge_index.dtype)
    src = jnp.concatenate([src, loop])
    dst = jnp.concatenate([dst, loop])
    deg = jnp.zeros((n_nodes,), dtype=x.dtype).at[dst].add(1.0)
    dinv = jnp.where(deg > 0, deg ** -0.5, 0.0)
    norm = dinv[src] * dinv[dst]
    h = x @ W
    msg = h[src] * norm[:, None]
    out = jnp.zeros((n_nodes, W.shape[1]), dtype=x.dtype).at[dst].add(msg)
    return out + b


def batch_norm(x, gamma, beta):
    # BatchNorm1d in training mode: biased batch statistics
    mean = jnp.mean(x, axis=0)
    var = jnp.var(x, axis=0)
    return gamma * (x - mean) / jnp.sqrt(var + EPS) + beta


def setup_inputs(seed: int = 0) -> dict:
    key = jax.random.key(seed)
    ks = jax.random.split(key, 10)
    edge_index = jax.random.randint(ks[0], (2, E), 0, N, dtype=jnp.int32)
    u_S = jax.random.normal(ks[1], (N, D_IN), dtype=jnp.float32)
    W1 = jax.random.normal(ks[2], (D_IN, D_HID), dtype=jnp.float32) / np.sqrt(D_IN)
    b1 = jnp.zeros((D_HID,), dtype=jnp.float32)
    gamma1 = jnp.ones((D_HID,), dtype=jnp.float32)
    beta1 = jnp.zeros((D_HID,), dtype=jnp.float32)
    W2 = jax.random.normal(ks[3], (D_HID, D_OUT), dtype=jnp.float32) / np.sqrt(D_HID)
    b2 = jnp.zeros((D_OUT,), dtype=jnp.float32)
    gamma2 = jnp.ones((D_OUT,), dtype=jnp.float32)
    beta2 = jnp.zeros((D_OUT,), dtype=jnp.float32)
    return {
        "edge_index": edge_index,
        "u_S": u_S,
        "W1": W1,
        "b1": b1,
        "gamma1": gamma1,
        "beta1": beta1,
        "W2": W2,
        "b2": b2,
        "gamma2": gamma2,
        "beta2": beta2,
    }


def reference(edge_index, u_S, W1, b1, gamma1, beta1, W2, b2, gamma2, beta2):
    S = gcn_conv(u_S, edge_index, W1, b1, N)
    S = batch_norm(S, gamma1, beta1)
    S = jax.nn.relu(S)
    S = gcn_conv(S, edge_index, W2, b2, N)
    S = batch_norm(S, gamma2, beta2)
    return (jax.nn.sigmoid(S), jax.nn.softmax(S, axis=1))

if __name__ == "__main__":
    import jax
    _d = setup_inputs()
    print(jax.jit(kernel)(*tuple(_d.values())))

</pallas_src>

<mosaic_0001>
#map = affine_map<(d0, d1) -> (0)>
#map1 = affine_map<(d0, d1) -> (0, 0)>
#map2 = affine_map<(d0, d1) -> (0, 0, 0)>
module attributes {stable_mosaic.version = 14 : i64} {
  func.func @prop(%arg0: i32, %arg1: i32, %arg2: memref<323584xi32, #tpu.memory_space<hbm>>, %arg3: memref<323584xi32, #tpu.memory_space<hbm>>, %arg4: memref<10000x128xf32, #tpu.memory_space<hbm>>, %arg5: memref<640x128xf32, #tpu.memory_space<hbm>>, %arg6: memref<2x10000x128xf32, #tpu.memory_space<hbm>>, %arg7: memref<10240x128xf32, #tpu.memory_space<vmem_shared>>, %arg8: memref<128xi32, #tpu.memory_space<vmem>>, %arg9: memref<128xi32, #tpu.memory_space<vmem>>, %arg10: memref<128x128xf32, #tpu.memory_space<vmem>>, %arg11: memref<!tpu.dma_semaphore, #tpu.memory_space<semaphore_mem>>) attributes {dimension_semantics = [#tpu.dimension_semantics<core_parallel>, #tpu.dimension_semantics<subcore_parallel>], iteration_bounds = array<i64: 2, 16>, scalar_prefetch = 0 : i64, scratch_operands = 5 : i64, tpu.core_type = #tpu.core_type<sc_vector_subcore>, window_params = [{transform_indices = #map}, {transform_indices = #map}, {transform_indices = #map1}, {transform_indices = #map1}, {transform_indices = #map2}]} {
    %mul3A = arith.constant 16 : i32
    %mul3A_0 = arith.muli %arg0, %mul3A : i32
    %add3A = arith.addi %mul3A_0, %arg1 : i32
    %mul3A_1 = arith.constant 640 : i32
    %mul3A_2 = arith.muli %arg1, %mul3A_1 : i32
    "tpu.region"() ({
      %run_scoped3A = tpu.sem_alloc : memref<!tpu.dma_semaphore, #tpu.memory_space<semaphore_mem>>
      %dma_start3A = arith.constant 0 : i32
      %dma_start3A_15 = tpu.memref_slice %arg7[%mul3A_2, %dma_start3A] : memref<10240x128xf32, #tpu.memory_space<vmem_shared>> -> memref<640x128xf32, #tpu.memory_space<vmem_shared>>
      tpu.enqueue_dma source(%arg5 : memref<640x128xf32, #tpu.memory_space<hbm>>) target(%dma_start3A_15 : memref<640x128xf32, #tpu.memory_space<vmem_shared>>) target_semaphore(%run_scoped3A : memref<!tpu.dma_semaphore, #tpu.memory_space<semaphore_mem>>)
      %dma_wait3A = arith.constant 0 : i32
      %dma_wait3A_16 = tpu.memref_slice %arg7[%mul3A_2, %dma_wait3A] : memref<10240x128xf32, #tpu.memory_space<vmem_shared>> -> memref<640x128xf32, #tpu.memory_space<vmem_shared>>
      tpu.wait_dma2 semaphore(%run_scoped3A : memref<!tpu.dma_semaphore, #tpu.memory_space<semaphore_mem>>) src(%arg5 : memref<640x128xf32, #tpu.memory_space<hbm>>) dst(%dma_wait3A_16 : memref<640x128xf32, #tpu.memory_space<vmem_shared>>)
      tpu.yield
    }) : () -> ()
    %barrier3A = arith.constant 0 : index
    tpu.barrier barrier_id(%barrier3A)
    %scan3A = arith.constant 0 : i32
    %scan3A_3 = arith.constant 0 : i32
    %scan3A_4 = arith.constant 79 : i32
    %scan3A_5 = arith.addi %scan3A_3, %scan3A_4 : i32
    %scan3A_6 = arith.constant 1 : i32
    scf.for %scan3A_15 = %scan3A_3 to %scan3A_5 step %scan3A_6  : i32 {
      %mul3A_16 = arith.constant 10112 : i32
      %mul3A_17 = arith.muli %add3A, %mul3A_16 : i32
      %mul3A_18 = arith.constant 128 : i32
      %mul3A_19 = arith.muli %scan3A_15, %mul3A_18 : i32
      %add3A_20 = arith.addi %mul3A_17, %mul3A_19 : i32
      "tpu.region"() ({
        %run_scoped3A = tpu.sem_alloc : memref<!tpu.dma_semaphore, #tpu.memory_space<semaphore_mem>>
        %dma_start3A_25 = tpu.memref_slice %arg2[%add3A_20] : memref<323584xi32, #tpu.memory_space<hbm>> -> memref<128xi32, #tpu.memory_space<hbm>>
        %dma_start3A_26 = tpu.memref_slice %arg2[%add3A_20] : memref<323584xi32, #tpu.memory_space<hbm>> -> memref<128xi32, #tpu.memory_space<hbm>>
        tpu.enqueue_dma source(%dma_start3A_26 : memref<128xi32, #tpu.memory_space<hbm>>) target(%arg8 : memref<128xi32, #tpu.memory_space<vmem>>) target_semaphore(%run_scoped3A : memref<!tpu.dma_semaphore, #tpu.memory_space<semaphore_mem>>)
        %dma_wait3A_27 = tpu.memref_slice %arg2[%add3A_20] : memref<323584xi32, #tpu.memory_space<hbm>> -> memref<128xi32, #tpu.memory_space<hbm>>
        %dma_wait3A_28 = tpu.memref_slice %arg2[%add3A_20] : memref<323584xi32, #tpu.memory_space<hbm>> -> memref<128xi32, #tpu.memory_space<hbm>>
        tpu.wait_dma2 semaphore(%run_scoped3A : memref<!tpu.dma_semaphore, #tpu.memory_space<semaphore_mem>>) src(%dma_wait3A_28 : memref<128xi32, #tpu.memory_space<hbm>>) dst(%arg8 : memref<128xi32, #tpu.memory_space<vmem>>)
        tpu.yield
      }) : () -> ()
      "tpu.region"() ({
        %run_scoped3A = tpu.sem_alloc : memref<!tpu.dma_semaphore, #tpu.memory_space<semaphore_mem>>
        %dma_start3A_25 = tpu.memref_slice %arg3[%add3A_20] : memref<323584xi32, #tpu.memory_space<hbm>> -> memref<128xi32, #tpu.memory_space<hbm>>
        %dma_start3A_26 = tpu.memref_slice %arg3[%add3A_20] : memref<323584xi32, #tpu.memory_space<hbm>> -> memref<128xi32, #tpu.memory_space<hbm>>
        tpu.enqueue_dma source(%dma_start3A_26 : memref<128xi32, #tpu.memory_space<hbm>>) target(%arg9 : memref<128xi32, #tpu.memory_space<vmem>>) target_semaphore(%run_scoped3A : memref<!tpu.dma_semaphore, #tpu.memory_space<semaphore_mem>>)
        %dma_wait3A_27 = tpu.memref_slice %arg3[%add3A_20] : memref<323584xi32, #tpu.memory_space<hbm>> -> memref<128xi32, #tpu.memory_space<hbm>>
        %dma_wait3A_28 = tpu.memref_slice %arg3[%add3A_20] : memref<323584xi32, #tpu.memory_space<hbm>> -> memref<128xi32, #tpu.memory_space<hbm>>
        tpu.wait_dma2 semaphore(%run_scoped3A : memref<!tpu.dma_semaphore, #tpu.memory_space<semaphore_mem>>) src(%dma_wait3A_28 : memref<128xi32, #tpu.memory_space<hbm>>) dst(%arg9 : memref<128xi32, #tpu.memory_space<vmem>>)
        tpu.yield
      }) : () -> ()
      %dma_start3A = arith.constant 0 : i32
      %dma_start3A_21 = arith.constant 0 : i32
      %dma_start3A_22 = tpu.memref_slice %arg4[%dma_start3A, %dma_start3A_21] : memref<10000x128xf32, #tpu.memory_space<hbm>> -> memref<10000x128xf32, #tpu.memory_space<hbm>>
      tpu.enqueue_indirect_dma source(%dma_start3A_22 : memref<10000x128xf32, #tpu.memory_space<hbm>>) target(%arg10 : memref<128x128xf32, #tpu.memory_space<vmem>>) offsets(%arg8 : memref<128xi32, #tpu.memory_space<vmem>>) semaphore(%arg11 : memref<!tpu.dma_semaphore, #tpu.memory_space<semaphore_mem>>)
      %dma_wait3A = arith.constant 0 : i32
      %dma_wait3A_23 = arith.constant 0 : i32
      %dma_wait3A_24 = tpu.memref_slice %arg4[%dma_wait3A, %dma_wait3A_23] : memref<10000x128xf32, #tpu.memory_space<hbm>> -> memref<10000x128xf32, #tpu.memory_space<hbm>>
      tpu.wait_indirect_dma semaphore(%arg11 : memref<!tpu.dma_semaphore, #tpu.memory_space<semaphore_mem>>) src(%dma_wait3A_24 : memref<10000x128xf32, #tpu.memory_space<hbm>>) dst(%arg10 : memref<128x128xf32, #tpu.memory_space<vmem>>)
      "tpu.region"() ({
        %run_scoped3A = tpu.sem_alloc : memref<!tpu.dma_semaphore, #tpu.memory_space<semaphore_mem>>
        %dma_start3A_25 = arith.constant 0 : i32
        %dma_start3A_26 = arith.constant 0 : i32
        %dma_start3A_27 = tpu.memref_slice %arg7[%dma_start3A_25, %dma_start3A_26] : memref<10240x128xf32, #tpu.memory_space<vmem_shared>> -> memref<10240x128xf32, #tpu.memory_space<vmem_shared>>
        tpu.enqueue_indirect_dma source(%arg10 : memref<128x128xf32, #tpu.memory_space<vmem>>) target(%dma_start3A_27 : memref<10240x128xf32, #tpu.memory_space<vmem_shared>>) offsets(%arg9 : memref<128xi32, #tpu.memory_space<vmem>>) semaphore(%run_scoped3A : memref<!tpu.dma_semaphore, #tpu.memory_space<semaphore_mem>>) {add = true}
        %dma_wait3A_28 = arith.constant 0 : i32
        %dma_wait3A_29 = arith.constant 0 : i32
        %dma_wait3A_30 = tpu.memref_slice %arg7[%dma_wait3A_28, %dma_wait3A_29] : memref<10240x128xf32, #tpu.memory_space<vmem_shared>> -> memref<10240x128xf32, #tpu.memory_space<vmem_shared>>
        tpu.wait_indirect_dma semaphore(%run_scoped3A : memref<!tpu.dma_semaphore, #tpu.memory_space<semaphore_mem>>) src(%arg10 : memref<128x128xf32, #tpu.memory_space<vmem>>) dst(%dma_wait3A_30 : memref<10240x128xf32, #tpu.memory_space<vmem_shared>>)
        tpu.yield
      }) : () -> ()
    }
    %scan3A_7 = arith.constant 79 : i32
    %barrier3A_8 = arith.constant 0 : index
    tpu.barrier barrier_id(%barrier3A_8)
    %mul3A_9 = arith.constant 624 : i32
    %mul3A_10 = arith.muli %arg1, %mul3A_9 : i32
    %mul3A_11 = arith.constant 624 : i32
    %mul3A_12 = arith.muli %arg1, %mul3A_11 : i32
    "tpu.region"() ({
      %run_scoped3A = tpu.sem_alloc : memref<!tpu.dma_semaphore, #tpu.memory_space<semaphore_mem>>
      %dma_start3A = arith.constant 0 : i32
      %dma_start3A_15 = tpu.memref_slice %arg6[%arg0, %mul3A_12, %dma_start3A] : memref<2x10000x128xf32, #tpu.memory_space<hbm>> -> memref<1x624x128xf32, #tpu.memory_space<hbm>>
      %dma_start3A_16 = tpu.memref_squeeze %dma_start3A_15 : memref<1x624x128xf32, #tpu.memory_space<hbm>> -> memref<624x128xf32, #tpu.memory_space<hbm>>
      %dma_start3A_17 = arith.constant 0 : i32
      %dma_start3A_18 = tpu.memref_slice %arg7[%mul3A_10, %dma_start3A_17] : memref<10240x128xf32, #tpu.memory_space<vmem_shared>> -> memref<624x128xf32, #tpu.memory_space<vmem_shared>>
      tpu.enqueue_dma source(%dma_start3A_18 : memref<624x128xf32, #tpu.memory_space<vmem_shared>>) target(%dma_start3A_16 : memref<624x128xf32, #tpu.memory_space<hbm>>) target_semaphore(%run_scoped3A : memref<!tpu.dma_semaphore, #tpu.memory_space<semaphore_mem>>)
      %dma_wait3A = arith.constant 0 : i32
      %dma_wait3A_19 = tpu.memref_slice %arg6[%arg0, %mul3A_12, %dma_wait3A] : memref<2x10000x128xf32, #tpu.memory_space<hbm>> -> memref<1x624x128xf32, #tpu.memory_space<hbm>>
      %dma_wait3A_20 = tpu.memref_squeeze %dma_wait3A_19 : memref<1x624x128xf32, #tpu.memory_space<hbm>> -> memref<624x128xf32, #tpu.memory_space<hbm>>
      %dma_wait3A_21 = arith.constant 0 : i32
      %dma_wait3A_22 = tpu.memref_slice %arg7[%mul3A_10, %dma_wait3A_21] : memref<10240x128xf32, #tpu.memory_space<vmem_shared>> -> memref<624x128xf32, #tpu.memory_space<vmem_shared>>
      tpu.wait_dma2 semaphore(%run_scoped3A : memref<!tpu.dma_semaphore, #tpu.memory_space<semaphore_mem>>) src(%dma_wait3A_22 : memref<624x128xf32, #tpu.memory_space<vmem_shared>>) dst(%dma_wait3A_20 : memref<624x128xf32, #tpu.memory_space<hbm>>)
      tpu.yield
    }) : () -> ()
    %eq3A = arith.constant 15 : i32
    %eq3A_13 = arith.cmpi eq, %arg1, %eq3A : i32
    %convert_element_type3A = arith.extui %eq3A_13 : i1 to i32
    %cond3A = arith.constant 0 : i32
    %cond3A_14 = arith.cmpi ne, %convert_element_type3A, %cond3A : i32
    scf.if %cond3A_14 {
      "tpu.region"() ({
        %run_scoped3A = tpu.sem_alloc : memref<!tpu.dma_semaphore, #tpu.memory_space<semaphore_mem>>
        %dma_start3A = arith.constant 9984 : i32
        %dma_start3A_15 = arith.constant 0 : i32
        %dma_start3A_16 = tpu.memref_slice %arg6[%arg0, %dma_start3A, %dma_start3A_15] : memref<2x10000x128xf32, #tpu.memory_space<hbm>> -> memref<1x16x128xf32, #tpu.memory_space<hbm>>
        %dma_start3A_17 = tpu.memref_squeeze %dma_start3A_16 : memref<1x16x128xf32, #tpu.memory_space<hbm>> -> memref<16x128xf32, #tpu.memory_space<hbm>>
        %dma_start3A_18 = arith.constant 9984 : i32
        %dma_start3A_19 = arith.constant 0 : i32
        %dma_start3A_20 = tpu.memref_slice %arg7[%dma_start3A_18, %dma_start3A_19] : memref<10240x128xf32, #tpu.memory_space<vmem_shared>> -> memref<16x128xf32, #tpu.memory_space<vmem_shared>>
        tpu.enqueue_dma source(%dma_start3A_20 : memref<16x128xf32, #tpu.memory_space<vmem_shared>>) target(%dma_start3A_17 : memref<16x128xf32, #tpu.memory_space<hbm>>) target_semaphore(%run_scoped3A : memref<!tpu.dma_semaphore, #tpu.memory_space<semaphore_mem>>)
        %dma_wait3A = arith.constant 9984 : i32
        %dma_wait3A_21 = arith.constant 0 : i32
        %dma_wait3A_22 = tpu.memref_slice %arg6[%arg0, %dma_wait3A, %dma_wait3A_21] : memref<2x10000x128xf32, #tpu.memory_space<hbm>> -> memref<1x16x128xf32, #tpu.memory_space<hbm>>
        %dma_wait3A_23 = tpu.memref_squeeze %dma_wait3A_22 : memref<1x16x128xf32, #tpu.memory_space<hbm>> -> memref<16x128xf32, #tpu.memory_space<hbm>>
        %dma_wait3A_24 = arith.constant 9984 : i32
        %dma_wait3A_25 = arith.constant 0 : i32
        %dma_wait3A_26 = tpu.memref_slice %arg7[%dma_wait3A_24, %dma_wait3A_25] : memref<10240x128xf32, #tpu.memory_space<vmem_shared>> -> memref<16x128xf32, #tpu.memory_space<vmem_shared>>
        tpu.wait_dma2 semaphore(%run_scoped3A : memref<!tpu.dma_semaphore, #tpu.memory_space<semaphore_mem>>) src(%dma_wait3A_26 : memref<16x128xf32, #tpu.memory_space<vmem_shared>>) dst(%dma_wait3A_23 : memref<16x128xf32, #tpu.memory_space<hbm>>)
        tpu.yield
      }) : () -> ()
    } else {
    }
    return
  }
}

#map = affine_map<(d0, d1) -> (0)>
#map1 = affine_map<(d0, d1) -> (0, 0)>
#map2 = affine_map<(d0, d1) -> (0, 0, 0)>
module attributes {stable_mosaic.version = 14 : i64} {
  func.func @_deg_kernel(%arg0: i32, %arg1: i32, %arg2: memref<323584xi32, #tpu.memory_space<hbm>>, %arg3: memref<128x8xf32, #tpu.memory_space<hbm>>, %arg4: memref<640x8xf32, #tpu.memory_space<hbm>>, %arg5: memref<2x10000x8xf32, #tpu.memory_space<hbm>>, %arg6: memref<10240x8xf32, #tpu.memory_space<vmem_shared>>, %arg7: memref<128xi32, #tpu.memory_space<vmem>>, %arg8: memref<128x8xf32, #tpu.memory_space<vmem>>) attributes {dimension_semantics = [#tpu.dimension_semantics<core_parallel>, #tpu.dimension_semantics<subcore_parallel>], iteration_bounds = array<i64: 2, 16>, scalar_prefetch = 0 : i64, scratch_operands = 3 : i64, tpu.core_type = #tpu.core_type<sc_vector_subcore>, window_params = [{transform_indices = #map}, {transform_indices = #map1}, {transform_indices = #map1}, {transform_indices = #map2}]} {
    %mul3A = arith.constant 16 : i32
    %mul3A_0 = arith.muli %arg0, %mul3A : i32
    %add3A = arith.addi %mul3A_0, %arg1 : i32
    %mul3A_1 = arith.constant 640 : i32
    %mul3A_2 = arith.muli %arg1, %mul3A_1 : i32
    "tpu.region"() ({
      %run_scoped3A = tpu.sem_alloc : memref<!tpu.dma_semaphore, #tpu.memory_space<semaphore_mem>>
      %dma_start3A = arith.constant 0 : i32
      %dma_start3A_15 = tpu.memref_slice %arg6[%mul3A_2, %dma_start3A] : memref<10240x8xf32, #tpu.memory_space<vmem_shared>> -> memref<640x8xf32, #tpu.memory_space<vmem_shared>>
      tpu.enqueue_dma source(%arg4 : memref<640x8xf32, #tpu.memory_space<hbm>>) target(%dma_start3A_15 : memref<640x8xf32, #tpu.memory_space<vmem_shared>>) target_semaphore(%run_scoped3A : memref<!tpu.dma_semaphore, #tpu.memory_space<semaphore_mem>>)
      %dma_wait3A = arith.constant 0 : i32
      %dma_wait3A_16 = tpu.memref_slice %arg6[%mul3A_2, %dma_wait3A] : memref<10240x8xf32, #tpu.memory_space<vmem_shared>> -> memref<640x8xf32, #tpu.memory_space<vmem_shared>>
      tpu.wait_dma2 semaphore(%run_scoped3A : memref<!tpu.dma_semaphore, #tpu.memory_space<semaphore_mem>>) src(%arg4 : memref<640x8xf32, #tpu.memory_space<hbm>>) dst(%dma_wait3A_16 : memref<640x8xf32, #tpu.memory_space<vmem_shared>>)
      tpu.yield
    }) : () -> ()
    "tpu.region"() ({
      %run_scoped3A = tpu.sem_alloc : memref<!tpu.dma_semaphore, #tpu.memory_space<semaphore_mem>>
      tpu.enqueue_dma source(%arg3 : memref<128x8xf32, #tpu.memory_space<hbm>>) target(%arg8 : memref<128x8xf32, #tpu.memory_space<vmem>>) target_semaphore(%run_scoped3A : memref<!tpu.dma_semaphore, #tpu.memory_space<semaphore_mem>>)
      tpu.wait_dma2 semaphore(%run_scoped3A : memref<!tpu.dma_semaphore, #tpu.memory_space<semaphore_mem>>) src(%arg3 : memref<128x8xf32, #tpu.memory_space<hbm>>) dst(%arg8 : memref<128x8xf32, #tpu.memory_space<vmem>>)
      tpu.yield
    }) : () -> ()
    %barrier3A = arith.constant 0 : index
    tpu.barrier barrier_id(%barrier3A)
    %scan3A = arith.constant 0 : i32
    %scan3A_3 = arith.constant 0 : i32
    %scan3A_4 = arith.constant 79 : i32
    %scan3A_5 = arith.addi %scan3A_3, %scan3A_4 : i32
    %scan3A_6 = arith.constant 1 : i32
    scf.for %scan3A_15 = %scan3A_3 to %scan3A_5 step %scan3A_6  : i32 {
      %mul3A_16 = arith.constant 10112 : i32
      %mul3A_17 = arith.muli %add3A, %mul3A_16 : i32
      %mul3A_18 = arith.constant 128 : i32
      %mul3A_19 = arith.muli %scan3A_15, %mul3A_18 : i32
      %add3A_20 = arith.addi %mul3A_17, %mul3A_19 : i32
      "tpu.region"() ({
        %run_scoped3A = tpu.sem_alloc : memref<!tpu.dma_semaphore, #tpu.memory_space<semaphore_mem>>
        %dma_start3A = tpu.memref_slice %arg2[%add3A_20] : memref<323584xi32, #tpu.memory_space<hbm>> -> memref<128xi32, #tpu.memory_space<hbm>>
        %dma_start3A_21 = tpu.memref_slice %arg2[%add3A_20] : memref<323584xi32, #tpu.memory_space<hbm>> -> memref<128xi32, #tpu.memory_space<hbm>>
        tpu.enqueue_dma source(%dma_start3A_21 : memref<128xi32, #tpu.memory_space<hbm>>) target(%arg7 : memref<128xi32, #tpu.memory_space<vmem>>) target_semaphore(%run_scoped3A : memref<!tpu.dma_semaphore, #tpu.memory_space<semaphore_mem>>)
        %dma_wait3A = tpu.memref_slice %arg2[%add3A_20] : memref<323584xi32, #tpu.memory_space<hbm>> -> memref<128xi32, #tpu.memory_space<hbm>>
        %dma_wait3A_22 = tpu.memref_slice %arg2[%add3A_20] : memref<323584xi32, #tpu.memory_space<hbm>> -> memref<128xi32, #tpu.memory_space<hbm>>
        tpu.wait_dma2 semaphore(%run_scoped3A : memref<!tpu.dma_semaphore, #tpu.memory_space<semaphore_mem>>) src(%dma_wait3A_22 : memref<128xi32, #tpu.memory_space<hbm>>) dst(%arg7 : memref<128xi32, #tpu.memory_space<vmem>>)
        tpu.yield
      }) : () -> ()
      "tpu.region"() ({
        %run_scoped3A = tpu.sem_alloc : memref<!tpu.dma_semaphore, #tpu.memory_space<semaphore_mem>>
        %dma_start3A = arith.constant 0 : i32
        %dma_start3A_21 = arith.constant 0 : i32
        %dma_start3A_22 = tpu.memref_slice %arg6[%dma_start3A, %dma_start3A_21] : memref<10240x8xf32, #tpu.memory_space<vmem_shared>> -> memref<10240x8xf32, #tpu.memory_space<vmem_shared>>
        tpu.enqueue_indirect_dma source(%arg8 : memref<128x8xf32, #tpu.memory_space<vmem>>) target(%dma_start3A_22 : memref<10240x8xf32, #tpu.memory_space<vmem_shared>>) offsets(%arg7 : memref<128xi32, #tpu.memory_space<vmem>>) semaphore(%run_scoped3A : memref<!tpu.dma_semaphore, #tpu.memory_space<semaphore_mem>>) {add = true}
        %dma_wait3A = arith.constant 0 : i32
        %dma_wait3A_23 = arith.constant 0 : i32
        %dma_wait3A_24 = tpu.memref_slice %arg6[%dma_wait3A, %dma_wait3A_23] : memref<10240x8xf32, #tpu.memory_space<vmem_shared>> -> memref<10240x8xf32, #tpu.memory_space<vmem_shared>>
        tpu.wait_indirect_dma semaphore(%run_scoped3A : memref<!tpu.dma_semaphore, #tpu.memory_space<semaphore_mem>>) src(%arg8 : memref<128x8xf32, #tpu.memory_space<vmem>>) dst(%dma_wait3A_24 : memref<10240x8xf32, #tpu.memory_space<vmem_shared>>)
        tpu.yield
      }) : () -> ()
    }
    %scan3A_7 = arith.constant 79 : i32
    %barrier3A_8 = arith.constant 0 : index
    tpu.barrier barrier_id(%barrier3A_8)
    %mul3A_9 = arith.constant 624 : i32
    %mul3A_10 = arith.muli %arg1, %mul3A_9 : i32
    %mul3A_11 = arith.constant 624 : i32
    %mul3A_12 = arith.muli %arg1, %mul3A_11 : i32
    "tpu.region"() ({
      %run_scoped3A = tpu.sem_alloc : memref<!tpu.dma_semaphore, #tpu.memory_space<semaphore_mem>>
      %dma_start3A = arith.constant 0 : i32
      %dma_start3A_15 = tpu.memref_slice %arg5[%arg0, %mul3A_12, %dma_start3A] : memref<2x10000x8xf32, #tpu.memory_space<hbm>> -> memref<1x624x8xf32, #tpu.memory_space<hbm>>
      %dma_start3A_16 = tpu.memref_squeeze %dma_start3A_15 : memref<1x624x8xf32, #tpu.memory_space<hbm>> -> memref<624x8xf32, #tpu.memory_space<hbm>>
      %dma_start3A_17 = arith.constant 0 : i32
      %dma_start3A_18 = tpu.memref_slice %arg6[%mul3A_10, %dma_start3A_17] : memref<10240x8xf32, #tpu.memory_space<vmem_shared>> -> memref<624x8xf32, #tpu.memory_space<vmem_shared>>
      tpu.enqueue_dma source(%dma_start3A_18 : memref<624x8xf32, #tpu.memory_space<vmem_shared>>) target(%dma_start3A_16 : memref<624x8xf32, #tpu.memory_space<hbm>>) target_semaphore(%run_scoped3A : memref<!tpu.dma_semaphore, #tpu.memory_space<semaphore_mem>>)
      %dma_wait3A = arith.constant 0 : i32
      %dma_wait3A_19 = tpu.memref_slice %arg5[%arg0, %mul3A_12, %dma_wait3A] : memref<2x10000x8xf32, #tpu.memory_space<hbm>> -> memref<1x624x8xf32, #tpu.memory_space<hbm>>
      %dma_wait3A_20 = tpu.memref_squeeze %dma_wait3A_19 : memref<1x624x8xf32, #tpu.memory_space<hbm>> -> memref<624x8xf32, #tpu.memory_space<hbm>>
      %dma_wait3A_21 = arith.constant 0 : i32
      %dma_wait3A_22 = tpu.memref_slice %arg6[%mul3A_10, %dma_wait3A_21] : memref<10240x8xf32, #tpu.memory_space<vmem_shared>> -> memref<624x8xf32, #tpu.memory_space<vmem_shared>>
      tpu.wait_dma2 semaphore(%run_scoped3A : memref<!tpu.dma_semaphore, #tpu.memory_space<semaphore_mem>>) src(%dma_wait3A_22 : memref<624x8xf32, #tpu.memory_space<vmem_shared>>) dst(%dma_wait3A_20 : memref<624x8xf32, #tpu.memory_space<hbm>>)
      tpu.yield
    }) : () -> ()
    %eq3A = arith.constant 15 : i32
    %eq3A_13 = arith.cmpi eq, %arg1, %eq3A : i32
    %convert_element_type3A = arith.extui %eq3A_13 : i1 to i32
    %cond3A = arith.constant 0 : i32
    %cond3A_14 = arith.cmpi ne, %convert_element_type3A, %cond3A : i32
    scf.if %cond3A_14 {
      "tpu.region"() ({
        %run_scoped3A = tpu.sem_alloc : memref<!tpu.dma_semaphore, #tpu.memory_space<semaphore_mem>>
        %dma_start3A = arith.constant 9984 : i32
        %dma_start3A_15 = arith.constant 0 : i32
        %dma_start3A_16 = tpu.memref_slice %arg5[%arg0, %dma_start3A, %dma_start3A_15] : memref<2x10000x8xf32, #tpu.memory_space<hbm>> -> memref<1x16x8xf32, #tpu.memory_space<hbm>>
        %dma_start3A_17 = tpu.memref_squeeze %dma_start3A_16 : memref<1x16x8xf32, #tpu.memory_space<hbm>> -> memref<16x8xf32, #tpu.memory_space<hbm>>
        %dma_start3A_18 = arith.constant 9984 : i32
        %dma_start3A_19 = arith.constant 0 : i32
        %dma_start3A_20 = tpu.memref_slice %arg6[%dma_start3A_18, %dma_start3A_19] : memref<10240x8xf32, #tpu.memory_space<vmem_shared>> -> memref<16x8xf32, #tpu.memory_space<vmem_shared>>
        tpu.enqueue_dma source(%dma_start3A_20 : memref<16x8xf32, #tpu.memory_space<vmem_shared>>) target(%dma_start3A_17 : memref<16x8xf32, #tpu.memory_space<hbm>>) target_semaphore(%run_scoped3A : memref<!tpu.dma_semaphore, #tpu.memory_space<semaphore_mem>>)
        %dma_wait3A = arith.constant 9984 : i32
        %dma_wait3A_21 = arith.constant 0 : i32
        %dma_wait3A_22 = tpu.memref_slice %arg5[%arg0, %dma_wait3A, %dma_wait3A_21] : memref<2x10000x8xf32, #tpu.memory_space<hbm>> -> memref<1x16x8xf32, #tpu.memory_space<hbm>>
        %dma_wait3A_23 = tpu.memref_squeeze %dma_wait3A_22 : memref<1x16x8xf32, #tpu.memory_space<hbm>> -> memref<16x8xf32, #tpu.memory_space<hbm>>
        %dma_wait3A_24 = arith.constant 9984 : i32
        %dma_wait3A_25 = arith.constant 0 : i32
        %dma_wait3A_26 = tpu.memref_slice %arg6[%dma_wait3A_24, %dma_wait3A_25] : memref<10240x8xf32, #tpu.memory_space<vmem_shared>> -> memref<16x8xf32, #tpu.memory_space<vmem_shared>>
        tpu.wait_dma2 semaphore(%run_scoped3A : memref<!tpu.dma_semaphore, #tpu.memory_space<semaphore_mem>>) src(%dma_wait3A_26 : memref<16x8xf32, #tpu.memory_space<vmem_shared>>) dst(%dma_wait3A_23 : memref<16x8xf32, #tpu.memory_space<hbm>>)
        tpu.yield
      }) : () -> ()
    } else {
    }
    return
  }
}

#map = affine_map<(d0, d1) -> (0)>
#map1 = affine_map<(d0, d1) -> (0, 0)>
#map2 = affine_map<(d0, d1) -> (0, 0, 0)>
module attributes {stable_mosaic.version = 14 : i64} {
  func.func @prop(%arg0: i32, %arg1: i32, %arg2: memref<323584xi32, #tpu.memory_space<hbm>>, %arg3: memref<323584xi32, #tpu.memory_space<hbm>>, %arg4: memref<10000x8xf32, #tpu.memory_space<hbm>>, %arg5: memref<640x8xf32, #tpu.memory_space<hbm>>, %arg6: memref<2x10000x8xf32, #tpu.memory_space<hbm>>, %arg7: memref<10240x8xf32, #tpu.memory_space<vmem_shared>>, %arg8: memref<128xi32, #tpu.memory_space<vmem>>, %arg9: memref<128xi32, #tpu.memory_space<vmem>>, %arg10: memref<128x8xf32, #tpu.memory_space<vmem>>, %arg11: memref<!tpu.dma_semaphore, #tpu.memory_space<semaphore_mem>>) attributes {dimension_semantics = [#tpu.dimension_semantics<core_parallel>, #tpu.dimension_semantics<subcore_parallel>], iteration_bounds = array<i64: 2, 16>, scalar_prefetch = 0 : i64, scratch_operands = 5 : i64, tpu.core_type = #tpu.core_type<sc_vector_subcore>, window_params = [{transform_indices = #map}, {transform_indices = #map}, {transform_indices = #map1}, {transform_indices = #map1}, {transform_indices = #map2}]} {
    %mul3A = arith.constant 16 : i32
    %mul3A_0 = arith.muli %arg0, %mul3A : i32
    %add3A = arith.addi %mul3A_0, %arg1 : i32
    %mul3A_1 = arith.constant 640 : i32
    %mul3A_2 = arith.muli %arg1, %mul3A_1 : i32
    "tpu.region"() ({
      %run_scoped3A = tpu.sem_alloc : memref<!tpu.dma_semaphore, #tpu.memory_space<semaphore_mem>>
      %dma_start3A = arith.constant 0 : i32
      %dma_start3A_15 = tpu.memref_slice %arg7[%mul3A_2, %dma_start3A] : memref<10240x8xf32, #tpu.memory_space<vmem_shared>> -> memref<640x8xf32, #tpu.memory_space<vmem_shared>>
      tpu.enqueue_dma source(%arg5 : memref<640x8xf32, #tpu.memory_space<hbm>>) target(%dma_start3A_15 : memref<640x8xf32, #tpu.memory_space<vmem_shared>>) target_semaphore(%run_scoped3A : memref<!tpu.dma_semaphore, #tpu.memory_space<semaphore_mem>>)
      %dma_wait3A = arith.constant 0 : i32
      %dma_wait3A_16 = tpu.memref_slice %arg7[%mul3A_2, %dma_wait3A] : memref<10240x8xf32, #tpu.memory_space<vmem_shared>> -> memref<640x8xf32, #tpu.memory_space<vmem_shared>>
      tpu.wait_dma2 semaphore(%run_scoped3A : memref<!tpu.dma_semaphore, #tpu.memory_space<semaphore_mem>>) src(%arg5 : memref<640x8xf32, #tpu.memory_space<hbm>>) dst(%dma_wait3A_16 : memref<640x8xf32, #tpu.memory_space<vmem_shared>>)
      tpu.yield
    }) : () -> ()
    %barrier3A = arith.constant 0 : index
    tpu.barrier barrier_id(%barrier3A)
    %scan3A = arith.constant 0 : i32
    %scan3A_3 = arith.constant 0 : i32
    %scan3A_4 = arith.constant 79 : i32
    %scan3A_5 = arith.addi %scan3A_3, %scan3A_4 : i32
    %scan3A_6 = arith.constant 1 : i32
    scf.for %scan3A_15 = %scan3A_3 to %scan3A_5 step %scan3A_6  : i32 {
      %mul3A_16 = arith.constant 10112 : i32
      %mul3A_17 = arith.muli %add3A, %mul3A_16 : i32
      %mul3A_18 = arith.constant 128 : i32
      %mul3A_19 = arith.muli %scan3A_15, %mul3A_18 : i32
      %add3A_20 = arith.addi %mul3A_17, %mul3A_19 : i32
      "tpu.region"() ({
        %run_scoped3A = tpu.sem_alloc : memref<!tpu.dma_semaphore, #tpu.memory_space<semaphore_mem>>
        %dma_start3A_25 = tpu.memref_slice %arg2[%add3A_20] : memref<323584xi32, #tpu.memory_space<hbm>> -> memref<128xi32, #tpu.memory_space<hbm>>
        %dma_start3A_26 = tpu.memref_slice %arg2[%add3A_20] : memref<323584xi32, #tpu.memory_space<hbm>> -> memref<128xi32, #tpu.memory_space<hbm>>
        tpu.enqueue_dma source(%dma_start3A_26 : memref<128xi32, #tpu.memory_space<hbm>>) target(%arg8 : memref<128xi32, #tpu.memory_space<vmem>>) target_semaphore(%run_scoped3A : memref<!tpu.dma_semaphore, #tpu.memory_space<semaphore_mem>>)
        %dma_wait3A_27 = tpu.memref_slice %arg2[%add3A_20] : memref<323584xi32, #tpu.memory_space<hbm>> -> memref<128xi32, #tpu.memory_space<hbm>>
        %dma_wait3A_28 = tpu.memref_slice %arg2[%add3A_20] : memref<323584xi32, #tpu.memory_space<hbm>> -> memref<128xi32, #tpu.memory_space<hbm>>
        tpu.wait_dma2 semaphore(%run_scoped3A : memref<!tpu.dma_semaphore, #tpu.memory_space<semaphore_mem>>) src(%dma_wait3A_28 : memref<128xi32, #tpu.memory_space<hbm>>) dst(%arg8 : memref<128xi32, #tpu.memory_space<vmem>>)
        tpu.yield
      }) : () -> ()
      "tpu.region"() ({
        %run_scoped3A = tpu.sem_alloc : memref<!tpu.dma_semaphore, #tpu.memory_space<semaphore_mem>>
        %dma_start3A_25 = tpu.memref_slice %arg3[%add3A_20] : memref<323584xi32, #tpu.memory_space<hbm>> -> memref<128xi32, #tpu.memory_space<hbm>>
        %dma_start3A_26 = tpu.memref_slice %arg3[%add3A_20] : memref<323584xi32, #tpu.memory_space<hbm>> -> memref<128xi32, #tpu.memory_space<hbm>>
        tpu.enqueue_dma source(%dma_start3A_26 : memref<128xi32, #tpu.memory_space<hbm>>) target(%arg9 : memref<128xi32, #tpu.memory_space<vmem>>) target_semaphore(%run_scoped3A : memref<!tpu.dma_semaphore, #tpu.memory_space<semaphore_mem>>)
        %dma_wait3A_27 = tpu.memref_slice %arg3[%add3A_20] : memref<323584xi32, #tpu.memory_space<hbm>> -> memref<128xi32, #tpu.memory_space<hbm>>
        %dma_wait3A_28 = tpu.memref_slice %arg3[%add3A_20] : memref<323584xi32, #tpu.memory_space<hbm>> -> memref<128xi32, #tpu.memory_space<hbm>>
        tpu.wait_dma2 semaphore(%run_scoped3A : memref<!tpu.dma_semaphore, #tpu.memory_space<semaphore_mem>>) src(%dma_wait3A_28 : memref<128xi32, #tpu.memory_space<hbm>>) dst(%arg9 : memref<128xi32, #tpu.memory_space<vmem>>)
        tpu.yield
      }) : () -> ()
      %dma_start3A = arith.constant 0 : i32
      %dma_start3A_21 = arith.constant 0 : i32
      %dma_start3A_22 = tpu.memref_slice %arg4[%dma_start3A, %dma_start3A_21] : memref<10000x8xf32, #tpu.memory_space<hbm>> -> memref<10000x8xf32, #tpu.memory_space<hbm>>
      tpu.enqueue_indirect_dma source(%dma_start3A_22 : memref<10000x8xf32, #tpu.memory_space<hbm>>) target(%arg10 : memref<128x8xf32, #tpu.memory_space<vmem>>) offsets(%arg8 : memref<128xi32, #tpu.memory_space<vmem>>) semaphore(%arg11 : memref<!tpu.dma_semaphore, #tpu.memory_space<semaphore_mem>>)
      %dma_wait3A = arith.constant 0 : i32
      %dma_wait3A_23 = arith.constant 0 : i32
      %dma_wait3A_24 = tpu.memref_slice %arg4[%dma_wait3A, %dma_wait3A_23] : memref<10000x8xf32, #tpu.memory_space<hbm>> -> memref<10000x8xf32, #tpu.memory_space<hbm>>
      tpu.wait_indirect_dma semaphore(%arg11 : memref<!tpu.dma_semaphore, #tpu.memory_space<semaphore_mem>>) src(%dma_wait3A_24 : memref<10000x8xf32, #tpu.memory_space<hbm>>) dst(%arg10 : memref<128x8xf32, #tpu.memory_space<vmem>>)
      "tpu.region"() ({
        %run_scoped3A = tpu.sem_alloc : memref<!tpu.dma_semaphore, #tpu.memory_space<semaphore_mem>>
        %dma_start3A_25 = arith.constant 0 : i32
        %dma_start3A_26 = arith.constant 0 : i32
        %dma_start3A_27 = tpu.memref_slice %arg7[%dma_start3A_25, %dma_start3A_26] : memref<10240x8xf32, #tpu.memory_space<vmem_shared>> -> memref<10240x8xf32, #tpu.memory_space<vmem_shared>>
        tpu.enqueue_indirect_dma source(%arg10 : memref<128x8xf32, #tpu.memory_space<vmem>>) target(%dma_start3A_27 : memref<10240x8xf32, #tpu.memory_space<vmem_shared>>) offsets(%arg9 : memref<128xi32, #tpu.memory_space<vmem>>) semaphore(%run_scoped3A : memref<!tpu.dma_semaphore, #tpu.memory_space<semaphore_mem>>) {add = true}
        %dma_wait3A_28 = arith.constant 0 : i32
        %dma_wait3A_29 = arith.constant 0 : i32
        %dma_wait3A_30 = tpu.memref_slice %arg7[%dma_wait3A_28, %dma_wait3A_29] : memref<10240x8xf32, #tpu.memory_space<vmem_shared>> -> memref<10240x8xf32, #tpu.memory_space<vmem_shared>>
        tpu.wait_indirect_dma semaphore(%run_scoped3A : memref<!tpu.dma_semaphore, #tpu.memory_space<semaphore_mem>>) src(%arg10 : memref<128x8xf32, #tpu.memory_space<vmem>>) dst(%dma_wait3A_30 : memref<10240x8xf32, #tpu.memory_space<vmem_shared>>)
        tpu.yield
      }) : () -> ()
    }
    %scan3A_7 = arith.constant 79 : i32
    %barrier3A_8 = arith.constant 0 : index
    tpu.barrier barrier_id(%barrier3A_8)
    %mul3A_9 = arith.constant 624 : i32
    %mul3A_10 = arith.muli %arg1, %mul3A_9 : i32
    %mul3A_11 = arith.constant 624 : i32
    %mul3A_12 = arith.muli %arg1, %mul3A_11 : i32
    "tpu.region"() ({
      %run_scoped3A = tpu.sem_alloc : memref<!tpu.dma_semaphore, #tpu.memory_space<semaphore_mem>>
      %dma_start3A = arith.constant 0 : i32
      %dma_start3A_15 = tpu.memref_slice %arg6[%arg0, %mul3A_12, %dma_start3A] : memref<2x10000x8xf32, #tpu.memory_space<hbm>> -> memref<1x624x8xf32, #tpu.memory_space<hbm>>
      %dma_start3A_16 = tpu.memref_squeeze %dma_start3A_15 : memref<1x624x8xf32, #tpu.memory_space<hbm>> -> memref<624x8xf32, #tpu.memory_space<hbm>>
      %dma_start3A_17 = arith.constant 0 : i32
      %dma_start3A_18 = tpu.memref_slice %arg7[%mul3A_10, %dma_start3A_17] : memref<10240x8xf32, #tpu.memory_space<vmem_shared>> -> memref<624x8xf32, #tpu.memory_space<vmem_shared>>
      tpu.enqueue_dma source(%dma_start3A_18 : memref<624x8xf32, #tpu.memory_space<vmem_shared>>) target(%dma_start3A_16 : memref<624x8xf32, #tpu.memory_space<hbm>>) target_semaphore(%run_scoped3A : memref<!tpu.dma_semaphore, #tpu.memory_space<semaphore_mem>>)
      %dma_wait3A = arith.constant 0 : i32
      %dma_wait3A_19 = tpu.memref_slice %arg6[%arg0, %mul3A_12, %dma_wait3A] : memref<2x10000x8xf32, #tpu.memory_space<hbm>> -> memref<1x624x8xf32, #tpu.memory_space<hbm>>
      %dma_wait3A_20 = tpu.memref_squeeze %dma_wait3A_19 : memref<1x624x8xf32, #tpu.memory_space<hbm>> -> memref<624x8xf32, #tpu.memory_space<hbm>>
      %dma_wait3A_21 = arith.constant 0 : i32
      %dma_wait3A_22 = tpu.memref_slice %arg7[%mul3A_10, %dma_wait3A_21] : memref<10240x8xf32, #tpu.memory_space<vmem_shared>> -> memref<624x8xf32, #tpu.memory_space<vmem_shared>>
      tpu.wait_dma2 semaphore(%run_scoped3A : memref<!tpu.dma_semaphore, #tpu.memory_space<semaphore_mem>>) src(%dma_wait3A_22 : memref<624x8xf32, #tpu.memory_space<vmem_shared>>) dst(%dma_wait3A_20 : memref<624x8xf32, #tpu.memory_space<hbm>>)
      tpu.yield
    }) : () -> ()
    %eq3A = arith.constant 15 : i32
    %eq3A_13 = arith.cmpi eq, %arg1, %eq3A : i32
    %convert_element_type3A = arith.extui %eq3A_13 : i1 to i32
    %cond3A = arith.constant 0 : i32
    %cond3A_14 = arith.cmpi ne, %convert_element_type3A, %cond3A : i32
    scf.if %cond3A_14 {
      "tpu.region"() ({
        %run_scoped3A = tpu.sem_alloc : memref<!tpu.dma_semaphore, #tpu.memory_space<semaphore_mem>>
        %dma_start3A = arith.constant 9984 : i32
        %dma_start3A_15 = arith.constant 0 : i32
        %dma_start3A_16 = tpu.memref_slice %arg6[%arg0, %dma_start3A, %dma_start3A_15] : memref<2x10000x8xf32, #tpu.memory_space<hbm>> -> memref<1x16x8xf32, #tpu.memory_space<hbm>>
        %dma_start3A_17 = tpu.memref_squeeze %dma_start3A_16 : memref<1x16x8xf32, #tpu.memory_space<hbm>> -> memref<16x8xf32, #tpu.memory_space<hbm>>
        %dma_start3A_18 = arith.constant 9984 : i32
        %dma_start3A_19 = arith.constant 0 : i32
        %dma_start3A_20 = tpu.memref_slice %arg7[%dma_start3A_18, %dma_start3A_19] : memref<10240x8xf32, #tpu.memory_space<vmem_shared>> -> memref<16x8xf32, #tpu.memory_space<vmem_shared>>
        tpu.enqueue_dma source(%dma_start3A_20 : memref<16x8xf32, #tpu.memory_space<vmem_shared>>) target(%dma_start3A_17 : memref<16x8xf32, #tpu.memory_space<hbm>>) target_semaphore(%run_scoped3A : memref<!tpu.dma_semaphore, #tpu.memory_space<semaphore_mem>>)
        %dma_wait3A = arith.constant 9984 : i32
        %dma_wait3A_21 = arith.constant 0 : i32
        %dma_wait3A_22 = tpu.memref_slice %arg6[%arg0, %dma_wait3A, %dma_wait3A_21] : memref<2x10000x8xf32, #tpu.memory_space<hbm>> -> memref<1x16x8xf32, #tpu.memory_space<hbm>>
        %dma_wait3A_23 = tpu.memref_squeeze %dma_wait3A_22 : memref<1x16x8xf32, #tpu.memory_space<hbm>> -> memref<16x8xf32, #tpu.memory_space<hbm>>
        %dma_wait3A_24 = arith.constant 9984 : i32
        %dma_wait3A_25 = arith.constant 0 : i32
        %dma_wait3A_26 = tpu.memref_slice %arg7[%dma_wait3A_24, %dma_wait3A_25] : memref<10240x8xf32, #tpu.memory_space<vmem_shared>> -> memref<16x8xf32, #tpu.memory_space<vmem_shared>>
        tpu.wait_dma2 semaphore(%run_scoped3A : memref<!tpu.dma_semaphore, #tpu.memory_space<semaphore_mem>>) src(%dma_wait3A_26 : memref<16x8xf32, #tpu.memory_space<vmem_shared>>) dst(%dma_wait3A_23 : memref<16x8xf32, #tpu.memory_space<hbm>>)
        tpu.yield
      }) : () -> ()
    } else {
    }
    return
  }
}

module attributes {stable_mosaic.version = 14 : i64} {
  func.func @_prep1_body(%arg0: i32, %arg1: memref<2x1000x8xf32, #tpu.memory_space<vmem>>, %arg2: memref<1000x128xf32, #tpu.memory_space<vmem>>, %arg3: memref<128x128xf32, #tpu.memory_space<vmem>>, %arg4: memref<1000x128xf32, #tpu.memory_space<vmem>>) attributes {dimension_semantics = [#tpu.dimension_semantics<arbitrary>], iteration_bounds = array<i64: 10>, scalar_prefetch = 0 : i64, scratch_operands = 0 : i64, tpu.core_type = #tpu.core_type<tc>, window_params = [{transform_indices = @transform_0, window_bounds = array<i64: 2, 1000, 8>}, {transform_indices = @transform_1, window_bounds = array<i64: 1000, 128>}, {pipeline_mode = #tpu.pipeline_mode<synchronous>, transform_indices = @transform_2, window_bounds = array<i64: 128, 128>}, {transform_indices = @transform_3, window_bounds = array<i64: 1000, 128>}]} {
    %get3A = arith.constant 0 : index
    %get3A_0 = arith.constant 0 : index
    %get3A_1 = arith.constant 0 : index
    %get3A_2 = vector.load %arg1[%get3A, %get3A_0, %get3A_1] : memref<2x1000x8xf32, #tpu.memory_space<vmem>>, vector<1x1000x1xf32>
    %get3A_3 = vector.shape_cast %get3A_2 : vector<1x1000x1xf32> to vector<1000xf32>
    %get3A_4 = arith.constant 1 : index
    %get3A_5 = arith.constant 0 : index
    %get3A_6 = arith.constant 0 : index
    %get3A_7 = vector.load %arg1[%get3A_4, %get3A_5, %get3A_6] : memref<2x1000x8xf32, #tpu.memory_space<vmem>>, vector<1x1000x1xf32>
    %get3A_8 = vector.shape_cast %get3A_7 : vector<1x1000x1xf32> to vector<1000xf32>
    %add3A = arith.addf %get3A_3, %get3A_8 : vector<1000xf32>
    %add3A_9 = arith.constant 1.000000e+00 : f32
    %add3A_10 = vector.broadcast %add3A_9 : f32 to vector<1000xf32>
    %add3A_11 = arith.addf %add3A, %add3A_10 : vector<1000xf32>
    %rsqrt3A = math.rsqrt %add3A_11 : vector<1000xf32>
    %get3A_12 = arith.constant 0 : index
    %get3A_13 = arith.constant 0 : index
    %get3A_14 = vector.load %arg2[%get3A_12, %get3A_13] : memref<1000x128xf32, #tpu.memory_space<vmem>>, vector<1000x128xf32>
    %get3A_15 = arith.constant 0 : index
    %get3A_16 = arith.constant 0 : index
    %get3A_17 = vector.load %arg3[%get3A_15, %get3A_16] : memref<128x128xf32, #tpu.memory_space<vmem>>, vector<128x128xf32>
    %dot_general3A = arith.constant dense<0.000000e+00> : vector<1000x128xf32>
    %dot_general3A_18 = tpu.matmul %get3A_14, %get3A_17, %dot_general3A {dimension_numbers = #tpu.dot_dimension_numbers<[1], [0], [0], [1], [0, 0, 1, 1], [], []>, transpose_lhs_hint = false} : vector<1000x128xf32>, vector<128x128xf32>, vector<1000x128xf32> -> vector<1000x128xf32>
    %broadcast_in_dim3A = vector.shape_cast %rsqrt3A : vector<1000xf32> to vector<1000x1xf32>
    %mul3A = vector.broadcast %broadcast_in_dim3A : vector<1000x1xf32> to vector<1000x128xf32>
    %mul3A_19 = arith.mulf %dot_general3A_18, %mul3A : vector<1000x128xf32>
    %swap3A = arith.constant 0 : index
    %swap3A_20 = arith.constant 0 : index
    %swap3A_21 = vector.load %arg4[%swap3A, %swap3A_20] : memref<1000x128xf32, #tpu.memory_space<vmem>>, vector<1000x128xf32>
    tpu.vector_store %arg4[%swap3A, %swap3A_20], %mul3A_19 {strides = array<i32>} : memref<1000x128xf32, #tpu.memory_space<vmem>>, vector<1000x128xf32>,
    return
  }
  func.func @transform_0(%arg0: i32) -> (i32, i32, i32) {
    %c0_i32 = arith.constant 0 : i32
    %c0_i32_0 = arith.constant 0 : i32
    %c0_i32_1 = arith.constant 0 : i32
    return %c0_i32, %arg0, %c0_i32_0 : i32, i32, i32
  }
  func.func @transform_1(%arg0: i32) -> (i32, i32) {
    %c0_i32 = arith.constant 0 : i32
    %c0_i32_0 = arith.constant 0 : i32
    return %arg0, %c0_i32 : i32, i32
  }
  func.func @transform_2(%arg0: i32) -> (i32, i32) {
    %c0_i32 = arith.constant 0 : i32
    %c0_i32_0 = arith.constant 0 : i32
    %c0_i32_1 = arith.constant 0 : i32
    return %c0_i32, %c0_i32_0 : i32, i32
  }
  func.func @transform_3(%arg0: i32) -> (i32, i32) {
    %c0_i32 = arith.constant 0 : i32
    %c0_i32_0 = arith.constant 0 : i32
    return %arg0, %c0_i32 : i32, i32
  }
}

module attributes {stable_mosaic.version = 14 : i64} {
  func.func @_stats1_body(%arg0: i32, %arg1: memref<2x1000x8xf32, #tpu.memory_space<vmem>>, %arg2: memref<2x1000x128xf32, #tpu.memory_space<vmem>>, %arg3: memref<1000x128xf32, #tpu.memory_space<vmem>>, %arg4: memref<1x128xf32, #tpu.memory_space<vmem>>, %arg5: memref<8x128xf32, #tpu.memory_space<vmem>>) attributes {dimension_semantics = [#tpu.dimension_semantics<arbitrary>], iteration_bounds = array<i64: 10>, scalar_prefetch = 0 : i64, scratch_operands = 0 : i64, tpu.core_type = #tpu.core_type<tc>, window_params = [{transform_indices = @transform_0, window_bounds = array<i64: 2, 1000, 8>}, {transform_indices = @transform_1, window_bounds = array<i64: 2, 1000, 128>}, {transform_indices = @transform_2, window_bounds = array<i64: 1000, 128>}, {pipeline_mode = #tpu.pipeline_mode<synchronous>, transform_indices = @transform_3, window_bounds = array<i64: 1, 128>}, {pipeline_mode = #tpu.pipeline_mode<synchronous>, transform_indices = @transform_4, window_bounds = array<i64: 8, 128>}]} {
    %get3A = arith.constant 0 : index
    %get3A_0 = arith.constant 0 : index
    %get3A_1 = arith.constant 0 : index
    %get3A_2 = vector.load %arg1[%get3A, %get3A_0, %get3A_1] : memref<2x1000x8xf32, #tpu.memory_space<vmem>>, vector<1x1000x1xf32>
    %get3A_3 = vector.shape_cast %get3A_2 : vector<1x1000x1xf32> to vector<1000xf32>
    %get3A_4 = arith.constant 1 : index
    %get3A_5 = arith.constant 0 : index
    %get3A_6 = arith.constant 0 : index
    %get3A_7 = vector.load %arg1[%get3A_4, %get3A_5, %get3A_6] : memref<2x1000x8xf32, #tpu.memory_space<vmem>>, vector<1x1000x1xf32>
    %get3A_8 = vector.shape_cast %get3A_7 : vector<1x1000x1xf32> to vector<1000xf32>
    %add3A = arith.addf %get3A_3, %get3A_8 : vector<1000xf32>
    %add3A_9 = arith.constant 1.000000e+00 : f32
    %add3A_10 = vector.broadcast %add3A_9 : f32 to vector<1000xf32>
    %add3A_11 = arith.addf %add3A, %add3A_10 : vector<1000xf32>
    %rsqrt3A = math.rsqrt %add3A_11 : vector<1000xf32>
    %broadcast_in_dim3A = vector.shape_cast %rsqrt3A : vector<1000xf32> to vector<1000x1xf32>
    %get3A_12 = arith.constant 0 : index
    %get3A_13 = arith.constant 0 : index
    %get3A_14 = arith.constant 0 : index
    %get3A_15 = vector.load %arg2[%get3A_12, %get3A_13, %get3A_14] : memref<2x1000x128xf32, #tpu.memory_space<vmem>>, vector<1x1000x128xf32>
    %get3A_16 = vector.shape_cast %get3A_15 : vector<1x1000x128xf32> to vector<1000x128xf32>
    %get3A_17 = arith.constant 1 : index
    %get3A_18 = arith.constant 0 : index
    %get3A_19 = arith.constant 0 : index
    %get3A_20 = vector.load %arg2[%get3A_17, %get3A_18, %get3A_19] : memref<2x1000x128xf32, #tpu.memory_space<vmem>>, vector<1x1000x128xf32>
    %get3A_21 = vector.shape_cast %get3A_20 : vector<1x1000x128xf32> to vector<1000x128xf32>
    %add3A_22 = arith.addf %get3A_16, %get3A_21 : vector<1000x128xf32>
    %get3A_23 = arith.constant 0 : index
    %get3A_24 = arith.constant 0 : index
    %get3A_25 = vector.load %arg3[%get3A_23, %get3A_24] : memref<1000x128xf32, #tpu.memory_space<vmem>>, vector<1000x128xf32>
    %add3A_26 = arith.addf %add3A_22, %get3A_25 : vector<1000x128xf32>
    %mul3A = vector.broadcast %broadcast_in_dim3A : vector<1000x1xf32> to vector<1000x128xf32>
    %mul3A_27 = arith.mulf %mul3A, %add3A_26 : vector<1000x128xf32>
    %get3A_28 = arith.constant 0 : index
    %get3A_29 = arith.constant 0 : index
    %get3A_30 = vector.load %arg4[%get3A_28, %get3A_29] : memref<1x128xf32, #tpu.memory_space<vmem>>, vector<1x128xf32>
    %add3A_31 = vector.broadcast %get3A_30 : vector<1x128xf32> to vector<1000x128xf32>
    %add3A_32 = arith.addf %mul3A_27, %add3A_31 : vector<1000x128xf32>
    %eq3A = arith.constant 0 : i32
    %eq3A_33 = arith.cmpi eq, %arg0, %eq3A : i32
    %convert_element_type3A = arith.extui %eq3A_33 : i1 to i32
    %cond3A = arith.constant 0 : i32
    %cond3A_34 = arith.cmpi ne, %convert_element_type3A, %cond3A : i32
    scf.if %cond3A_34 {
      %broadcast_in_dim3A_49 = arith.constant 0.000000e+00 : f32
      %broadcast_in_dim3A_50 = vector.broadcast %broadcast_in_dim3A_49 : f32 to vector<8x128xf32>
      %swap3A_51 = arith.constant 0 : index
      %swap3A_52 = arith.constant 0 : index
      %swap3A_53 = vector.load %arg5[%swap3A_51, %swap3A_52] : memref<8x128xf32, #tpu.memory_space<vmem>>, vector<8x128xf32>
      tpu.vector_store %arg5[%swap3A_51, %swap3A_52], %broadcast_in_dim3A_50 {strides = array<i32>} : memref<8x128xf32, #tpu.memory_space<vmem>>, vector<8x128xf32>,
    } else {
    }
    %reduce_sum3A = arith.constant dense<0.000000e+00> : vector<128xf32>
    %reduce_sum3A_35 = vector.multi_reduction <add>, %add3A_32, %reduce_sum3A [0] : vector<1000x128xf32> to vector<128xf32>
    %broadcast_in_dim3A_36 = vector.shape_cast %reduce_sum3A_35 : vector<128xf32> to vector<1x128xf32>
    %mul3A_37 = arith.mulf %add3A_32, %add3A_32 : vector<1000x128xf32>
    %reduce_sum3A_38 = arith.constant dense<0.000000e+00> : vector<128xf32>
    %reduce_sum3A_39 = vector.multi_reduction <add>, %mul3A_37, %reduce_sum3A_38 [0] : vector<1000x128xf32> to vector<128xf32>
    %broadcast_in_dim3A_40 = vector.shape_cast %reduce_sum3A_39 : vector<128xf32> to vector<1x128xf32>
    %broadcast_in_dim3A_41 = arith.constant 0.000000e+00 : f32
    %broadcast_in_dim3A_42 = vector.broadcast %broadcast_in_dim3A_41 : f32 to vector<6x128xf32>
    %concatenate3A = tpu.concatenate %broadcast_in_dim3A_36, %broadcast_in_dim3A_40, %broadcast_in_dim3A_42 in 0 : vector<1x128xf32>, vector<1x128xf32>, vector<6x128xf32> -> vector<8x128xf32>
    %get3A_43 = arith.constant 0 : index
    %get3A_44 = arith.constant 0 : index
    %get3A_45 = vector.load %arg5[%get3A_43, %get3A_44] : memref<8x128xf32, #tpu.memory_space<vmem>>, vector<8x128xf32>
    %add3A_46 = arith.addf %get3A_45, %concatenate3A : vector<8x128xf32>
    %swap3A = arith.constant 0 : index
    %swap3A_47 = arith.constant 0 : index
    %swap3A_48 = vector.load %arg5[%swap3A, %swap3A_47] : memref<8x128xf32, #tpu.memory_space<vmem>>, vector<8x128xf32>
    tpu.vector_store %arg5[%swap3A, %swap3A_47], %add3A_46 {strides = array<i32>} : memref<8x128xf32, #tpu.memory_space<vmem>>, vector<8x128xf32>,
    return
  }
  func.func @transform_0(%arg0: i32) -> (i32, i32, i32) {
    %c0_i32 = arith.constant 0 : i32
    %c0_i32_0 = arith.constant 0 : i32
    %c0_i32_1 = arith.constant 0 : i32
    return %c0_i32, %arg0, %c0_i32_0 : i32, i32, i32
  }
  func.func @transform_1(%arg0: i32) -> (i32, i32, i32) {
    %c0_i32 = arith.constant 0 : i32
    %c0_i32_0 = arith.constant 0 : i32
    %c0_i32_1 = arith.constant 0 : i32
    return %c0_i32, %arg0, %c0_i32_0 : i32, i32, i32
  }
  func.func @transform_2(%arg0: i32) -> (i32, i32) {
    %c0_i32 = arith.constant 0 : i32
    %c0_i32_0 = arith.constant 0 : i32
    return %arg0, %c0_i32 : i32, i32
  }
  func.func @transform_3(%arg0: i32) -> (i32, i32) {
    %c0_i32 = arith.constant 0 : i32
    %c0_i32_0 = arith.constant 0 : i32
    %c0_i32_1 = arith.constant 0 : i32
    return %c0_i32, %c0_i32_0 : i32, i32
  }
  func.func @transform_4(%arg0: i32) -> (i32, i32) {
    %c0_i32 = arith.constant 0 : i32
    %c0_i32_0 = arith.constant 0 : i32
    %c0_i32_1 = arith.constant 0 : i32
    return %c0_i32, %c0_i32_0 : i32, i32
  }
}

module attributes {stable_mosaic.version = 14 : i64} {
  func.func @_apply1_body(%arg0: i32, %arg1: memref<2x1000x8xf32, #tpu.memory_space<vmem>>, %arg2: memref<2x1000x128xf32, #tpu.memory_space<vmem>>, %arg3: memref<1000x128xf32, #tpu.memory_space<vmem>>, %arg4: memref<1x128xf32, #tpu.memory_space<vmem>>, %arg5: memref<8x128xf32, #tpu.memory_space<vmem>>, %arg6: memref<1x128xf32, #tpu.memory_space<vmem>>, %arg7: memref<1x128xf32, #tpu.memory_space<vmem>>, %arg8: memref<128x8xf32, #tpu.memory_space<vmem>>, %arg9: memref<1000x8xf32, #tpu.memory_space<vmem>>) attributes {dimension_semantics = [#tpu.dimension_semantics<arbitrary>], iteration_bounds = array<i64: 10>, scalar_prefetch = 0 : i64, scratch_operands = 0 : i64, tpu.core_type = #tpu.core_type<tc>, window_params = [{transform_indices = @transform_0, window_bounds = array<i64: 2, 1000, 8>}, {transform_indices = @transform_1, window_bounds = array<i64: 2, 1000, 128>}, {transform_indices = @transform_2, window_bounds = array<i64: 1000, 128>}, {pipeline_mode = #tpu.pipeline_mode<synchronous>, transform_indices = @transform_3, window_bounds = array<i64: 1, 128>}, {pipeline_mode = #tpu.pipeline_mode<synchronous>, transform_indices = @transform_4, window_bounds = array<i64: 8, 128>}, {pipeline_mode = #tpu.pipeline_mode<synchronous>, transform_indices = @transform_5, window_bounds = array<i64: 1, 128>}, {pipeline_mode = #tpu.pipeline_mode<synchronous>, transform_indices = @transform_6, window_bounds = array<i64: 1, 128>}, {pipeline_mode = #tpu.pipeline_mode<synchronous>, transform_indices = @transform_7, window_bounds = array<i64: 128, 8>}, {transform_indices = @transform_8, window_bounds = array<i64: 1000, 8>}]} {
    %get3A = arith.constant 0 : index
    %get3A_0 = arith.constant 0 : index
    %get3A_1 = arith.constant 0 : index
    %get3A_2 = vector.load %arg1[%get3A, %get3A_0, %get3A_1] : memref<2x1000x8xf32, #tpu.memory_space<vmem>>, vector<1x1000x1xf32>
    %get3A_3 = vector.shape_cast %get3A_2 : vector<1x1000x1xf32> to vector<1000xf32>
    %get3A_4 = arith.constant 1 : index
    %get3A_5 = arith.constant 0 : index
    %get3A_6 = arith.constant 0 : index
    %get3A_7 = vector.load %arg1[%get3A_4, %get3A_5, %get3A_6] : memref<2x1000x8xf32, #tpu.memory_space<vmem>>, vector<1x1000x1xf32>
    %get3A_8 = vector.shape_cast %get3A_7 : vector<1x1000x1xf32> to vector<1000xf32>
    %add3A = arith.addf %get3A_3, %get3A_8 : vector<1000xf32>
    %add3A_9 = arith.constant 1.000000e+00 : f32
    %add3A_10 = vector.broadcast %add3A_9 : f32 to vector<1000xf32>
    %add3A_11 = arith.addf %add3A, %add3A_10 : vector<1000xf32>
    %rsqrt3A = math.rsqrt %add3A_11 : vector<1000xf32>
    %broadcast_in_dim3A = vector.shape_cast %rsqrt3A : vector<1000xf32> to vector<1000x1xf32>
    %get3A_12 = arith.constant 0 : index
    %get3A_13 = arith.constant 0 : index
    %get3A_14 = arith.constant 0 : index
    %get3A_15 = vector.load %arg2[%get3A_12, %get3A_13, %get3A_14] : memref<2x1000x128xf32, #tpu.memory_space<vmem>>, vector<1x1000x128xf32>
    %get3A_16 = vector.shape_cast %get3A_15 : vector<1x1000x128xf32> to vector<1000x128xf32>
    %get3A_17 = arith.constant 1 : index
    %get3A_18 = arith.constant 0 : index
    %get3A_19 = arith.constant 0 : index
    %get3A_20 = vector.load %arg2[%get3A_17, %get3A_18, %get3A_19] : memref<2x1000x128xf32, #tpu.memory_space<vmem>>, vector<1x1000x128xf32>
    %get3A_21 = vector.shape_cast %get3A_20 : vector<1x1000x128xf32> to vector<1000x128xf32>
    %add3A_22 = arith.addf %get3A_16, %get3A_21 : vector<1000x128xf32>
    %get3A_23 = arith.constant 0 : index
    %get3A_24 = arith.constant 0 : index
    %get3A_25 = vector.load %arg3[%get3A_23, %get3A_24] : memref<1000x128xf32, #tpu.memory_space<vmem>>, vector<1000x128xf32>
    %add3A_26 = arith.addf %add3A_22, %get3A_25 : vector<1000x128xf32>
    %mul3A = vector.broadcast %broadcast_in_dim3A : vector<1000x1xf32> to vector<1000x128xf32>
    %mul3A_27 = arith.mulf %mul3A, %add3A_26 : vector<1000x128xf32>
    %get3A_28 = arith.constant 0 : index
    %get3A_29 = arith.constant 0 : index
    %get3A_30 = vector.load %arg4[%get3A_28, %get3A_29] : memref<1x128xf32, #tpu.memory_space<vmem>>, vector<1x128xf32>
    %add3A_31 = vector.broadcast %get3A_30 : vector<1x128xf32> to vector<1000x128xf32>
    %add3A_32 = arith.addf %mul3A_27, %add3A_31 : vector<1000x128xf32>
    %get3A_33 = arith.constant 0 : index
    %get3A_34 = arith.constant 0 : index
    %get3A_35 = vector.load %arg5[%get3A_33, %get3A_34] : memref<8x128xf32, #tpu.memory_space<vmem>>, vector<1x128xf32>
    %div3A = arith.constant 1.000000e+04 : f32
    %div3A_36 = vector.broadcast %div3A : f32 to vector<1x128xf32>
    %div3A_37 = arith.divf %get3A_35, %div3A_36 : vector<1x128xf32>
    %get3A_38 = arith.constant 1 : index
    %get3A_39 = arith.constant 0 : index
    %get3A_40 = vector.load %arg5[%get3A_38, %get3A_39] : memref<8x128xf32, #tpu.memory_space<vmem>>, vector<1x128xf32>
    %div3A_41 = arith.constant 1.000000e+04 : f32
    %div3A_42 = vector.broadcast %div3A_41 : f32 to vector<1x128xf32>
    %div3A_43 = arith.divf %get3A_40, %div3A_42 : vector<1x128xf32>
    %mul3A_44 = arith.mulf %div3A_37, %div3A_37 : vector<1x128xf32>
    %sub3A = arith.subf %div3A_43, %mul3A_44 : vector<1x128xf32>
    %sub3A_45 = vector.broadcast %div3A_37 : vector<1x128xf32> to vector<1000x128xf32>
    %sub3A_46 = arith.subf %add3A_32, %sub3A_45 : vector<1000x128xf32>
    %add3A_47 = arith.constant 9.99999974E-6 : f32
    %add3A_48 = vector.broadcast %add3A_47 : f32 to vector<1x128xf32>
    %add3A_49 = arith.addf %sub3A, %add3A_48 : vector<1x128xf32>
    %rsqrt3A_50 = math.rsqrt %add3A_49 : vector<1x128xf32>
    %mul3A_51 = vector.broadcast %rsqrt3A_50 : vector<1x128xf32> to vector<1000x128xf32>
    %mul3A_52 = arith.mulf %sub3A_46, %mul3A_51 : vector<1000x128xf32>
    %get3A_53 = arith.constant 0 : index
    %get3A_54 = arith.constant 0 : index
    %get3A_55 = vector.load %arg6[%get3A_53, %get3A_54] : memref<1x128xf32, #tpu.memory_space<vmem>>, vector<1x128xf32>
    %mul3A_56 = vector.broadcast %get3A_55 : vector<1x128xf32> to vector<1000x128xf32>
    %mul3A_57 = arith.mulf %mul3A_56, %mul3A_52 : vector<1000x128xf32>
    %get3A_58 = arith.constant 0 : index
    %get3A_59 = arith.constant 0 : index
    %get3A_60 = vector.load %arg7[%get3A_58, %get3A_59] : memref<1x128xf32, #tpu.memory_space<vmem>>, vector<1x128xf32>
    %add3A_61 = vector.broadcast %get3A_60 : vector<1x128xf32> to vector<1000x128xf32>
    %add3A_62 = arith.addf %mul3A_57, %add3A_61 : vector<1000x128xf32>
    %max3A = arith.constant 0.000000e+00 : f32
    %max3A_63 = vector.broadcast %max3A : f32 to vector<1000x128xf32>
    %max3A_64 = arith.maximumf %add3A_62, %max3A_63 : vector<1000x128xf32>
    %get3A_65 = arith.constant 0 : index
    %get3A_66 = arith.constant 0 : index
    %get3A_67 = vector.load %arg8[%get3A_65, %get3A_66] : memref<128x8xf32, #tpu.memory_space<vmem>>, vector<128x8xf32>
    %dot_general3A = arith.constant dense<0.000000e+00> : vector<1000x8xf32>
    %dot_general3A_68 = tpu.matmul %max3A_64, %get3A_67, %dot_general3A {dimension_numbers = #tpu.dot_dimension_numbers<[1], [0], [0], [1], [0, 0, 1, 1], [], []>, transpose_lhs_hint = false} : vector<1000x128xf32>, vector<128x8xf32>, vector<1000x8xf32> -> vector<1000x8xf32>
    %broadcast_in_dim3A_69 = vector.shape_cast %rsqrt3A : vector<1000xf32> to vector<1000x1xf32>
    %mul3A_70 = vector.broadcast %broadcast_in_dim3A_69 : vector<1000x1xf32> to vector<1000x8xf32>
    %mul3A_71 = arith.mulf %dot_general3A_68, %mul3A_70 : vector<1000x8xf32>
    %swap3A = arith.constant 0 : index
    %swap3A_72 = arith.constant 0 : index
    %swap3A_73 = vector.load %arg9[%swap3A, %swap3A_72] : memref<1000x8xf32, #tpu.memory_space<vmem>>, vector<1000x8xf32>
    tpu.vector_store %arg9[%swap3A, %swap3A_72], %mul3A_71 {strides = array<i32>} : memref<1000x8xf32, #tpu.memory_space<vmem>>, vector<1000x8xf32>,
    return
  }
  func.func @transform_0(%arg0: i32) -> (i32, i32, i32) {
    %c0_i32 = arith.constant 0 : i32
    %c0_i32_0 = arith.constant 0 : i32
    %c0_i32_1 = arith.constant 0 : i32
    return %c0_i32, %arg0, %c0_i32_0 : i32, i32, i32
  }
  func.func @transform_1(%arg0: i32) -> (i32, i32, i32) {
    %c0_i32 = arith.constant 0 : i32
    %c0_i32_0 = arith.constant 0 : i32
    %c0_i32_1 = arith.constant 0 : i32
    return %c0_i32, %arg0, %c0_i32_0 : i32, i32, i32
  }
  func.func @transform_2(%arg0: i32) -> (i32, i32) {
    %c0_i32 = arith.constant 0 : i32
    %c0_i32_0 = arith.constant 0 : i32
    return %arg0, %c0_i32 : i32, i32
  }
  func.func @transform_3(%arg0: i32) -> (i32, i32) {
    %c0_i32 = arith.constant 0 : i32
    %c0_i32_0 = arith.constant 0 : i32
    %c0_i32_1 = arith.constant 0 : i32
    return %c0_i32, %c0_i32_0 : i32, i32
  }
  func.func @transform_4(%arg0: i32) -> (i32, i32) {
    %c0_i32 = arith.constant 0 : i32
    %c0_i32_0 = arith.constant 0 : i32
    %c0_i32_1 = arith.constant 0 : i32
    return %c0_i32, %c0_i32_0 : i32, i32
  }
  func.func @transform_5(%arg0: i32) -> (i32, i32) {
    %c0_i32 = arith.constant 0 : i32
    %c0_i32_0 = arith.constant 0 : i32
    %c0_i32_1 = arith.constant 0 : i32
    return %c0_i32, %c0_i32_0 : i32, i32
  }
  func.func @transform_6(%arg0: i32) -> (i32, i32) {
    %c0_i32 = arith.constant 0 : i32
    %c0_i32_0 = arith.constant 0 : i32
    %c0_i32_1 = arith.constant 0 : i32
    return %c0_i32, %c0_i32_0 : i32, i32
  }
  func.func @transform_7(%arg0: i32) -> (i32, i32) {
    %c0_i32 = arith.constant 0 : i32
    %c0_i32_0 = arith.constant 0 : i32
    %c0_i32_1 = arith.constant 0 : i32
    return %c0_i32, %c0_i32_0 : i32, i32
  }
  func.func @transform_8(%arg0: i32) -> (i32, i32) {
    %c0_i32 = arith.constant 0 : i32
    %c0_i32_0 = arith.constant 0 : i32
    return %arg0, %c0_i32 : i32, i32
  }
}

module attributes {stable_mosaic.version = 14 : i64} {
  func.func @_stats2_body(%arg0: i32, %arg1: memref<2x1000x8xf32, #tpu.memory_space<vmem>>, %arg2: memref<2x1000x8xf32, #tpu.memory_space<vmem>>, %arg3: memref<1000x8xf32, #tpu.memory_space<vmem>>, %arg4: memref<1x8xf32, #tpu.memory_space<vmem>>, %arg5: memref<8x8xf32, #tpu.memory_space<vmem>>) attributes {dimension_semantics = [#tpu.dimension_semantics<arbitrary>], iteration_bounds = array<i64: 10>, scalar_prefetch = 0 : i64, scratch_operands = 0 : i64, tpu.core_type = #tpu.core_type<tc>, window_params = [{transform_indices = @transform_0, window_bounds = array<i64: 2, 1000, 8>}, {transform_indices = @transform_1, window_bounds = array<i64: 2, 1000, 8>}, {transform_indices = @transform_2, window_bounds = array<i64: 1000, 8>}, {pipeline_mode = #tpu.pipeline_mode<synchronous>, transform_indices = @transform_3, window_bounds = array<i64: 1, 8>}, {pipeline_mode = #tpu.pipeline_mode<synchronous>, transform_indices = @transform_4, window_bounds = array<i64: 8, 8>}]} {
    %get3A = arith.constant 0 : index
    %get3A_0 = arith.constant 0 : index
    %get3A_1 = arith.constant 0 : index
    %get3A_2 = vector.load %arg1[%get3A, %get3A_0, %get3A_1] : memref<2x1000x8xf32, #tpu.memory_space<vmem>>, vector<1x1000x1xf32>
    %get3A_3 = vector.shape_cast %get3A_2 : vector<1x1000x1xf32> to vector<1000xf32>
    %get3A_4 = arith.constant 1 : index
    %get3A_5 = arith.constant 0 : index
    %get3A_6 = arith.constant 0 : index
    %get3A_7 = vector.load %arg1[%get3A_4, %get3A_5, %get3A_6] : memref<2x1000x8xf32, #tpu.memory_space<vmem>>, vector<1x1000x1xf32>
    %get3A_8 = vector.shape_cast %get3A_7 : vector<1x1000x1xf32> to vector<1000xf32>
    %add3A = arith.addf %get3A_3, %get3A_8 : vector<1000xf32>
    %add3A_9 = arith.constant 1.000000e+00 : f32
    %add3A_10 = vector.broadcast %add3A_9 : f32 to vector<1000xf32>
    %add3A_11 = arith.addf %add3A, %add3A_10 : vector<1000xf32>
    %rsqrt3A = math.rsqrt %add3A_11 : vector<1000xf32>
    %broadcast_in_dim3A = vector.shape_cast %rsqrt3A : vector<1000xf32> to vector<1000x1xf32>
    %get3A_12 = arith.constant 0 : index
    %get3A_13 = arith.constant 0 : index
    %get3A_14 = arith.constant 0 : index
    %get3A_15 = vector.load %arg2[%get3A_12, %get3A_13, %get3A_14] : memref<2x1000x8xf32, #tpu.memory_space<vmem>>, vector<1x1000x8xf32>
    %get3A_16 = vector.shape_cast %get3A_15 : vector<1x1000x8xf32> to vector<1000x8xf32>
    %get3A_17 = arith.constant 1 : index
    %get3A_18 = arith.constant 0 : index
    %get3A_19 = arith.constant 0 : index
    %get3A_20 = vector.load %arg2[%get3A_17, %get3A_18, %get3A_19] : memref<2x1000x8xf32, #tpu.memory_space<vmem>>, vector<1x1000x8xf32>
    %get3A_21 = vector.shape_cast %get3A_20 : vector<1x1000x8xf32> to vector<1000x8xf32>
    %add3A_22 = arith.addf %get3A_16, %get3A_21 : vector<1000x8xf32>
    %get3A_23 = arith.constant 0 : index
    %get3A_24 = arith.constant 0 : index
    %get3A_25 = vector.load %arg3[%get3A_23, %get3A_24] : memref<1000x8xf32, #tpu.memory_space<vmem>>, vector<1000x8xf32>
    %add3A_26 = arith.addf %add3A_22, %get3A_25 : vector<1000x8xf32>
    %mul3A = vector.broadcast %broadcast_in_dim3A : vector<1000x1xf32> to vector<1000x8xf32>
    %mul3A_27 = arith.mulf %mul3A, %add3A_26 : vector<1000x8xf32>
    %get3A_28 = arith.constant 0 : index
    %get3A_29 = arith.constant 0 : index
    %get3A_30 = vector.load %arg4[%get3A_28, %get3A_29] : memref<1x8xf32, #tpu.memory_space<vmem>>, vector<1x8xf32>
    %add3A_31 = vector.broadcast %get3A_30 : vector<1x8xf32> to vector<1000x8xf32>
    %add3A_32 = arith.addf %mul3A_27, %add3A_31 : vector<1000x8xf32>
    %eq3A = arith.constant 0 : i32
    %eq3A_33 = arith.cmpi eq, %arg0, %eq3A : i32
    %convert_element_type3A = arith.extui %eq3A_33 : i1 to i32
    %cond3A = arith.constant 0 : i32
    %cond3A_34 = arith.cmpi ne, %convert_element_type3A, %cond3A : i32
    scf.if %cond3A_34 {
      %broadcast_in_dim3A_49 = arith.constant 0.000000e+00 : f32
      %broadcast_in_dim3A_50 = vector.broadcast %broadcast_in_dim3A_49 : f32 to vector<8x8xf32>
      %swap3A_51 = arith.constant 0 : index
      %swap3A_52 = arith.constant 0 : index
      %swap3A_53 = vector.load %arg5[%swap3A_51, %swap3A_52] : memref<8x8xf32, #tpu.memory_space<vmem>>, vector<8x8xf32>
      tpu.vector_store %arg5[%swap3A_51, %swap3A_52], %broadcast_in_dim3A_50 {strides = array<i32>} : memref<8x8xf32, #tpu.memory_space<vmem>>, vector<8x8xf32>,
    } else {
    }
    %reduce_sum3A = arith.constant dense<0.000000e+00> : vector<8xf32>
    %reduce_sum3A_35 = vector.multi_reduction <add>, %add3A_32, %reduce_sum3A [0] : vector<1000x8xf32> to vector<8xf32>
    %broadcast_in_dim3A_36 = vector.shape_cast %reduce_sum3A_35 : vector<8xf32> to vector<1x8xf32>
    %mul3A_37 = arith.mulf %add3A_32, %add3A_32 : vector<1000x8xf32>
    %reduce_sum3A_38 = arith.constant dense<0.000000e+00> : vector<8xf32>
    %reduce_sum3A_39 = vector.multi_reduction <add>, %mul3A_37, %reduce_sum3A_38 [0] : vector<1000x8xf32> to vector<8xf32>
    %broadcast_in_dim3A_40 = vector.shape_cast %reduce_sum3A_39 : vector<8xf32> to vector<1x8xf32>
    %broadcast_in_dim3A_41 = arith.constant 0.000000e+00 : f32
    %broadcast_in_dim3A_42 = vector.broadcast %broadcast_in_dim3A_41 : f32 to vector<6x8xf32>
    %concatenate3A = tpu.concatenate %broadcast_in_dim3A_36, %broadcast_in_dim3A_40, %broadcast_in_dim3A_42 in 0 : vector<1x8xf32>, vector<1x8xf32>, vector<6x8xf32> -> vector<8x8xf32>
    %get3A_43 = arith.constant 0 : index
    %get3A_44 = arith.constant 0 : index
    %get3A_45 = vector.load %arg5[%get3A_43, %get3A_44] : memref<8x8xf32, #tpu.memory_space<vmem>>, vector<8x8xf32>
    %add3A_46 = arith.addf %get3A_45, %concatenate3A : vector<8x8xf32>
    %swap3A = arith.constant 0 : index
    %swap3A_47 = arith.constant 0 : index
    %swap3A_48 = vector.load %arg5[%swap3A, %swap3A_47] : memref<8x8xf32, #tpu.memory_space<vmem>>, vector<8x8xf32>
    tpu.vector_store %arg5[%swap3A, %swap3A_47], %add3A_46 {strides = array<i32>} : memref<8x8xf32, #tpu.memory_space<vmem>>, vector<8x8xf32>,
    return
  }
  func.func @transform_0(%arg0: i32) -> (i32, i32, i32) {
    %c0_i32 = arith.constant 0 : i32
    %c0_i32_0 = arith.constant 0 : i32
    %c0_i32_1 = arith.constant 0 : i32
    return %c0_i32, %arg0, %c0_i32_0 : i32, i32, i32
  }
  func.func @transform_1(%arg0: i32) -> (i32, i32, i32) {
    %c0_i32 = arith.constant 0 : i32
    %c0_i32_0 = arith.constant 0 : i32
    %c0_i32_1 = arith.constant 0 : i32
    return %c0_i32, %arg0, %c0_i32_0 : i32, i32, i32
  }
  func.func @transform_2(%arg0: i32) -> (i32, i32) {
    %c0_i32 = arith.constant 0 : i32
    %c0_i32_0 = arith.constant 0 : i32
    return %arg0, %c0_i32 : i32, i32
  }
  func.func @transform_3(%arg0: i32) -> (i32, i32) {
    %c0_i32 = arith.constant 0 : i32
    %c0_i32_0 = arith.constant 0 : i32
    %c0_i32_1 = arith.constant 0 : i32
    return %c0_i32, %c0_i32_0 : i32, i32
  }
  func.func @transform_4(%arg0: i32) -> (i32, i32) {
    %c0_i32 = arith.constant 0 : i32
    %c0_i32_0 = arith.constant 0 : i32
    %c0_i32_1 = arith.constant 0 : i32
    return %c0_i32, %c0_i32_0 : i32, i32
  }
}

module attributes {stable_mosaic.version = 14 : i64} {
  func.func @_apply2_body(%arg0: i32, %arg1: memref<2x1000x8xf32, #tpu.memory_space<vmem>>, %arg2: memref<2x1000x8xf32, #tpu.memory_space<vmem>>, %arg3: memref<1000x8xf32, #tpu.memory_space<vmem>>, %arg4: memref<1x8xf32, #tpu.memory_space<vmem>>, %arg5: memref<8x8xf32, #tpu.memory_space<vmem>>, %arg6: memref<1x8xf32, #tpu.memory_space<vmem>>, %arg7: memref<1x8xf32, #tpu.memory_space<vmem>>, %arg8: memref<1000x8xf32, #tpu.memory_space<vmem>>, %arg9: memref<1000x8xf32, #tpu.memory_space<vmem>>) attributes {dimension_semantics = [#tpu.dimension_semantics<arbitrary>], iteration_bounds = array<i64: 10>, scalar_prefetch = 0 : i64, scratch_operands = 0 : i64, tpu.core_type = #tpu.core_type<tc>, window_params = [{transform_indices = @transform_0, window_bounds = array<i64: 2, 1000, 8>}, {transform_indices = @transform_1, window_bounds = array<i64: 2, 1000, 8>}, {transform_indices = @transform_2, window_bounds = array<i64: 1000, 8>}, {pipeline_mode = #tpu.pipeline_mode<synchronous>, transform_indices = @transform_3, window_bounds = array<i64: 1, 8>}, {pipeline_mode = #tpu.pipeline_mode<synchronous>, transform_indices = @transform_4, window_bounds = array<i64: 8, 8>}, {pipeline_mode = #tpu.pipeline_mode<synchronous>, transform_indices = @transform_5, window_bounds = array<i64: 1, 8>}, {pipeline_mode = #tpu.pipeline_mode<synchronous>, transform_indices = @transform_6, window_bounds = array<i64: 1, 8>}, {transform_indices = @transform_7, window_bounds = array<i64: 1000, 8>}, {transform_indices = @transform_8, window_bounds = array<i64: 1000, 8>}]} {
    %get3A = arith.constant 0 : index
    %get3A_0 = arith.constant 0 : index
    %get3A_1 = arith.constant 0 : index
    %get3A_2 = vector.load %arg1[%get3A, %get3A_0, %get3A_1] : memref<2x1000x8xf32, #tpu.memory_space<vmem>>, vector<1x1000x1xf32>
    %get3A_3 = vector.shape_cast %get3A_2 : vector<1x1000x1xf32> to vector<1000xf32>
    %get3A_4 = arith.constant 1 : index
    %get3A_5 = arith.constant 0 : index
    %get3A_6 = arith.constant 0 : index
    %get3A_7 = vector.load %arg1[%get3A_4, %get3A_5, %get3A_6] : memref<2x1000x8xf32, #tpu.memory_space<vmem>>, vector<1x1000x1xf32>
    %get3A_8 = vector.shape_cast %get3A_7 : vector<1x1000x1xf32> to vector<1000xf32>
    %add3A = arith.addf %get3A_3, %get3A_8 : vector<1000xf32>
    %add3A_9 = arith.constant 1.000000e+00 : f32
    %add3A_10 = vector.broadcast %add3A_9 : f32 to vector<1000xf32>
    %add3A_11 = arith.addf %add3A, %add3A_10 : vector<1000xf32>
    %rsqrt3A = math.rsqrt %add3A_11 : vector<1000xf32>
    %broadcast_in_dim3A = vector.shape_cast %rsqrt3A : vector<1000xf32> to vector<1000x1xf32>
    %get3A_12 = arith.constant 0 : index
    %get3A_13 = arith.constant 0 : index
    %get3A_14 = arith.constant 0 : index
    %get3A_15 = vector.load %arg2[%get3A_12, %get3A_13, %get3A_14] : memref<2x1000x8xf32, #tpu.memory_space<vmem>>, vector<1x1000x8xf32>
    %get3A_16 = vector.shape_cast %get3A_15 : vector<1x1000x8xf32> to vector<1000x8xf32>
    %get3A_17 = arith.constant 1 : index
    %get3A_18 = arith.constant 0 : index
    %get3A_19 = arith.constant 0 : index
    %get3A_20 = vector.load %arg2[%get3A_17, %get3A_18, %get3A_19] : memref<2x1000x8xf32, #tpu.memory_space<vmem>>, vector<1x1000x8xf32>
    %get3A_21 = vector.shape_cast %get3A_20 : vector<1x1000x8xf32> to vector<1000x8xf32>
    %add3A_22 = arith.addf %get3A_16, %get3A_21 : vector<1000x8xf32>
    %get3A_23 = arith.constant 0 : index
    %get3A_24 = arith.constant 0 : index
    %get3A_25 = vector.load %arg3[%get3A_23, %get3A_24] : memref<1000x8xf32, #tpu.memory_space<vmem>>, vector<1000x8xf32>
    %add3A_26 = arith.addf %add3A_22, %get3A_25 : vector<1000x8xf32>
    %mul3A = vector.broadcast %broadcast_in_dim3A : vector<1000x1xf32> to vector<1000x8xf32>
    %mul3A_27 = arith.mulf %mul3A, %add3A_26 : vector<1000x8xf32>
    %get3A_28 = arith.constant 0 : index
    %get3A_29 = arith.constant 0 : index
    %get3A_30 = vector.load %arg4[%get3A_28, %get3A_29] : memref<1x8xf32, #tpu.memory_space<vmem>>, vector<1x8xf32>
    %add3A_31 = vector.broadcast %get3A_30 : vector<1x8xf32> to vector<1000x8xf32>
    %add3A_32 = arith.addf %mul3A_27, %add3A_31 : vector<1000x8xf32>
    %get3A_33 = arith.constant 0 : index
    %get3A_34 = arith.constant 0 : index
    %get3A_35 = vector.load %arg5[%get3A_33, %get3A_34] : memref<8x8xf32, #tpu.memory_space<vmem>>, vector<1x8xf32>
    %div3A = arith.constant 1.000000e+04 : f32
    %div3A_36 = vector.broadcast %div3A : f32 to vector<1x8xf32>
    %div3A_37 = arith.divf %get3A_35, %div3A_36 : vector<1x8xf32>
    %get3A_38 = arith.constant 1 : index
    %get3A_39 = arith.constant 0 : index
    %get3A_40 = vector.load %arg5[%get3A_38, %get3A_39] : memref<8x8xf32, #tpu.memory_space<vmem>>, vector<1x8xf32>
    %div3A_41 = arith.constant 1.000000e+04 : f32
    %div3A_42 = vector.broadcast %div3A_41 : f32 to vector<1x8xf32>
    %div3A_43 = arith.divf %get3A_40, %div3A_42 : vector<1x8xf32>
    %mul3A_44 = arith.mulf %div3A_37, %div3A_37 : vector<1x8xf32>
    %sub3A = arith.subf %div3A_43, %mul3A_44 : vector<1x8xf32>
    %sub3A_45 = vector.broadcast %div3A_37 : vector<1x8xf32> to vector<1000x8xf32>
    %sub3A_46 = arith.subf %add3A_32, %sub3A_45 : vector<1000x8xf32>
    %add3A_47 = arith.constant 9.99999974E-6 : f32
    %add3A_48 = vector.broadcast %add3A_47 : f32 to vector<1x8xf32>
    %add3A_49 = arith.addf %sub3A, %add3A_48 : vector<1x8xf32>
    %rsqrt3A_50 = math.rsqrt %add3A_49 : vector<1x8xf32>
    %mul3A_51 = vector.broadcast %rsqrt3A_50 : vector<1x8xf32> to vector<1000x8xf32>
    %mul3A_52 = arith.mulf %sub3A_46, %mul3A_51 : vector<1000x8xf32>
    %get3A_53 = arith.constant 0 : index
    %get3A_54 = arith.constant 0 : index
    %get3A_55 = vector.load %arg6[%get3A_53, %get3A_54] : memref<1x8xf32, #tpu.memory_space<vmem>>, vector<1x8xf32>
    %mul3A_56 = vector.broadcast %get3A_55 : vector<1x8xf32> to vector<1000x8xf32>
    %mul3A_57 = arith.mulf %mul3A_56, %mul3A_52 : vector<1000x8xf32>
    %get3A_58 = arith.constant 0 : index
    %get3A_59 = arith.constant 0 : index
    %get3A_60 = vector.load %arg7[%get3A_58, %get3A_59] : memref<1x8xf32, #tpu.memory_space<vmem>>, vector<1x8xf32>
    %add3A_61 = vector.broadcast %get3A_60 : vector<1x8xf32> to vector<1000x8xf32>
    %add3A_62 = arith.addf %mul3A_57, %add3A_61 : vector<1000x8xf32>
    %neg3A = arith.constant 0.000000e+00 : f32
    %neg3A_63 = vector.broadcast %neg3A : f32 to vector<1000x8xf32>
    %neg3A_64 = arith.subf %neg3A_63, %add3A_62 : vector<1000x8xf32>
    %exp3A = math.exp %neg3A_64 : vector<1000x8xf32>
    %add3A_65 = arith.constant 1.000000e+00 : f32
    %add3A_66 = vector.broadcast %add3A_65 : f32 to vector<1000x8xf32>
    %add3A_67 = arith.addf %add3A_66, %exp3A : vector<1000x8xf32>
    %div3A_68 = arith.constant 1.000000e+00 : f32
    %div3A_69 = vector.broadcast %div3A_68 : f32 to vector<1000x8xf32>
    %div3A_70 = arith.divf %div3A_69, %add3A_67 : vector<1000x8xf32>
    %swap3A = arith.constant 0 : index
    %swap3A_71 = arith.constant 0 : index
    %swap3A_72 = vector.load %arg8[%swap3A, %swap3A_71] : memref<1000x8xf32, #tpu.memory_space<vmem>>, vector<1000x8xf32>
    tpu.vector_store %arg8[%swap3A, %swap3A_71], %div3A_70 {strides = array<i32>} : memref<1000x8xf32, #tpu.memory_space<vmem>>, vector<1000x8xf32>,
    %slice3A = vector.extract_strided_slice %add3A_62 {offsets = [0, 0], sizes = [1000, 1], strides = [1, 1]} : vector<1000x8xf32> to vector<1000x1xf32>
    %slice3A_73 = vector.extract_strided_slice %add3A_62 {offsets = [0, 1], sizes = [1000, 1], strides = [1, 1]} : vector<1000x8xf32> to vector<1000x1xf32>
    %max3A = arith.maximumf %slice3A, %slice3A_73 : vector<1000x1xf32>
    %sub3A_74 = arith.subf %slice3A, %max3A : vector<1000x1xf32>
    %exp3A_75 = math.exp %sub3A_74 : vector<1000x1xf32>
    %sub3A_76 = arith.subf %slice3A_73, %max3A : vector<1000x1xf32>
    %exp3A_77 = math.exp %sub3A_76 : vector<1000x1xf32>
    %add3A_78 = arith.addf %exp3A_75, %exp3A_77 : vector<1000x1xf32>
    %div3A_79 = arith.divf %exp3A_75, %add3A_78 : vector<1000x1xf32>
    %div3A_80 = arith.divf %exp3A_77, %add3A_78 : vector<1000x1xf32>
    %broadcast_in_dim3A_81 = arith.constant 0.000000e+00 : f32
    %broadcast_in_dim3A_82 = vector.broadcast %broadcast_in_dim3A_81 : f32 to vector<1000x6xf32>
    %concatenate3A = tpu.concatenate %div3A_79, %div3A_80, %broadcast_in_dim3A_82 in 1 : vector<1000x1xf32>, vector<1000x1xf32>, vector<1000x6xf32> -> vector<1000x8xf32>
    %swap3A_83 = arith.constant 0 : index
    %swap3A_84 = arith.constant 0 : index
    %swap3A_85 = vector.load %arg9[%swap3A_83, %swap3A_84] : memref<1000x8xf32, #tpu.memory_space<vmem>>, vector<1000x8xf32>
    tpu.vector_store %arg9[%swap3A_83, %swap3A_84], %concatenate3A {strides = array<i32>} : memref<1000x8xf32, #tpu.memory_space<vmem>>, vector<1000x8xf32>,
    return
  }
  func.func @transform_0(%arg0: i32) -> (i32, i32, i32) {
    %c0_i32 = arith.constant 0 : i32
    %c0_i32_0 = arith.constant 0 : i32
    %c0_i32_1 = arith.constant 0 : i32
    return %c0_i32, %arg0, %c0_i32_0 : i32, i32, i32
  }
  func.func @transform_1(%arg0: i32) -> (i32, i32, i32) {
    %c0_i32 = arith.constant 0 : i32
    %c0_i32_0 = arith.constant 0 : i32
    %c0_i32_1 = arith.constant 0 : i32
    return %c0_i32, %arg0, %c0_i32_0 : i32, i32, i32
  }
  func.func @transform_2(%arg0: i32) -> (i32, i32) {
    %c0_i32 = arith.constant 0 : i32
    %c0_i32_0 = arith.constant 0 : i32
    return %arg0, %c0_i32 : i32, i32
  }
  func.func @transform_3(%arg0: i32) -> (i32, i32) {
    %c0_i32 = arith.constant 0 : i32
    %c0_i32_0 = arith.constant 0 : i32
    %c0_i32_1 = arith.constant 0 : i32
    return %c0_i32, %c0_i32_0 : i32, i32
  }
  func.func @transform_4(%arg0: i32) -> (i32, i32) {
    %c0_i32 = arith.constant 0 : i32
    %c0_i32_0 = arith.constant 0 : i32
    %c0_i32_1 = arith.constant 0 : i32
    return %c0_i32, %c0_i32_0 : i32, i32
  }
  func.func @transform_5(%arg0: i32) -> (i32, i32) {
    %c0_i32 = arith.constant 0 : i32
    %c0_i32_0 = arith.constant 0 : i32
    %c0_i32_1 = arith.constant 0 : i32
    return %c0_i32, %c0_i32_0 : i32, i32
  }
  func.func @transform_6(%arg0: i32) -> (i32, i32) {
    %c0_i32 = arith.constant 0 : i32
    %c0_i32_0 = arith.constant 0 : i32
    %c0_i32_1 = arith.constant 0 : i32
    return %c0_i32, %c0_i32_0 : i32, i32
  }
  func.func @transform_7(%arg0: i32) -> (i32, i32) {
    %c0_i32 = arith.constant 0 : i32
    %c0_i32_0 = arith.constant 0 : i32
    return %arg0, %c0_i32 : i32, i32
  }
  func.func @transform_8(%arg0: i32) -> (i32, i32) {
    %c0_i32 = arith.constant 0 : i32
    %c0_i32_0 = arith.constant 0 : i32
    return %arg0, %c0_i32 : i32, i32
  }
}

</mosaic_0001>

<sc_bundles>
// kernel: kernel.10.cloned.1.call-start
scs
__scs_entry_jumppad:
0x0: {  	(pc) =	sbr.rel $0x88, $3  }
0x1: {  	(tag) =	ssettag $0x0;
	lr =	simm.s32 $0x1  }
0x2: {  	[smem:$0x3F97] =	sst lr;
	_ =	strace $0xD0000000  }
0x3: {  	_ = 	snop  }
0x4: {  	_ = 	snop  }
0x5: {  	_ = 	snop  }
0x6: {  	_ = 	snop  }
0x7: {  	_ = 	snop  }
__scs_overlays_trampoline_lowered:
0x8: {  	[smem:$0x3FA6] =	sst s0  }
0x9: {  	[smem:$0x3FA7] =	sst s1  }
0xa: {  	[smem:$0x3FA8] =	sst s2  }
0xb: {  	[smem:$0x3FA9] =	sst s3  }
0xc: {  	[smem:$0x3FAA] =	sst s4  }
0xd: {  	[smem:$0x3FAB] =	sst s5  }
0xe: {  	[smem:$0x3FAC] =	sst s6  }
0xf: {  	[smem:$0x3FAD] =	sst s7  }
0x10: {  	[smem:$0x3FAE] =	sst s8  }
0x11: {  	[smem:$0x3FAF] =	sst s9;
	s0 =	simm.s32 @!p0 $0x0  }
0x12: {  	s1 =	sld [smem:$0x3F95];
	s0 =	simm.s32 @p0 $0x1  }
0x13: {  	[smem:$0x3FB0] =	sst s0;
	s0 =	simm.s32 @!p1 $0x0  }
0x14: {  	s2 =	sld [smem:$0x3F94];
	s0 =	simm.s32 @p1 $0x1  }
0x15: {  	[smem:$0x3FB1] =	sst s0;
	s0 =	simm.s32 @!p2 $0x0  }
0x16: {  	s3 =	sld [smem:$0x3FDB];
	s0 =	simm.s32 @p2 $0x1  }
0x17: {  	s4 =	simm.s32 $0x1BF5;
	[smem:$0x3FB3] =	sst s0  }
0x18: {  	s0 =	sld [smem:$0x3F96];
	_ =	swait.ge [sflag:s4], $0x0  }
0x19: {  	s7 =	sld [smem:$0x3F97]  }
0x1a: {  	s8 =	sadd.s32 $0xFFFFE003, lr  }
0x1b: {  	s9 =	sadd.s32 $0xFFFFFEF7, lr;
	s5 =	simm.s32 $0xFFFFFFFF;
	p2 =	slt.u32 s8, $0xFFFFF086  }
0x1c: {  	p1 =	slt.u32 s9, $0xF7A;
	s5 =	simm.s32 @!p2 $0x0  }
0x1d: {  	s5 =	simm.s32 @p1 $0x1;
	p0 =	seq.s32 s7, s2  }
0x1e: {  	s7 =	smul.u32 @!p0 $0xF7A, s2;
	p2 =	seq.s32 @!p0 s5, $0x0  }
0x1f: {  	s9 =	smul.u32 $0xF7A, s1;
	s8 =	simm.s32 @!p0 $0x1BF5;
	p2 =	por !p2, p0  }
0x20: {  	[sflag:s8] =	ssyncset.s32 @!p0 $0xFFFFF086;
	s6 =	sadd.s32 @!p0 s3, s7;
	s7 =	simm.s32 @!p0 $0x108  }
0x21: {  	s3 =	sadd.s32 s3, s9;
	s6 =	sadd.s32 @!p0 $0x88, s6;
	s7 =	simm.s32 @p2 $0x1082  }
0x22: {  	[simem:s7], [sflag:s8] =	dma.local @!p0 [hbm:s6], $0xF7A  }
0x23: {  	s9 =	sor.u32 $0xD0000000, s2;
	s6 =	simm.s32 $0x108;
	_ =	swait.ge @!p0 [sflag:s8], $0x0  }
0x24: {  	s3 =	sadd.s32 $0x88, s3;
	s6 =	simm.s32 @!p1 $0x1082;
	[sflag:s4] =	ssyncset.s32 $0xFFFFF086  }
0x25: {  	[simem:s6], [sflag:s4] =	dma.local [hbm:s3], $0xF7A  }
0x26: {  	[smem:$0x3F97] =	sst s1;
	(tag) =	ssettag s2;
	_ =	strace s9  }
0x27: {  	s1 =	sld [smem:$0x3FA7]  }
0x28: {  	s2 =	sld [smem:$0x3FA8]  }
0x29: {  	s4 =	sld [smem:$0x3FAA]  }
0x2a: {  	p0 =	seq.s32 s5, $0x0;
	s5 =	sld [smem:$0x3FAB]  }
0x2b: {  	s6 =	sld [smem:$0x3FAC]  }
0x2c: {  	s7 =	sld [smem:$0x3FAD]  }
0x2d: {  	s3 =	simm.s32 $0x108;
	s8 =	sld [smem:$0x3FAE]  }
0x2e: {  	s3 =	simm.s32 @!p0 $0x1082;
	s9 =	sld [smem:$0x3FAF]  }
0x2f: {  	lr =	sadd.s32 s0, s3;
	s0 =	sld [smem:$0x3FA6]  }
0x30: {  	s3 =	sld [smem:$0x3FA9]  }
0x31: {  	[smem:$0x3FB2] =	sst s10  }
0x32: {  	s10 =	sld [smem:$0x3FB0];
	_ =	sdelay $0x3  }
0x33: {  	p0 =	seq.s32 s10, $0x1;
	s10 =	sld [smem:$0x3FB2];
	_ =	sdelay $0x3  }
0x34: {  	[smem:$0x3FB2] =	sst s10  }
0x35: {  	s10 =	sld [smem:$0x3FB1];
	_ =	sdelay $0x3  }
0x36: {  	p1 =	seq.s32 s10, $0x1;
	s10 =	sld [smem:$0x3FB2];
	_ =	sdelay $0x3  }
0x37: {  	[smem:$0x3FB2] =	sst s10  }
0x38: {  	s10 =	sld [smem:$0x3FB3]  }
0x39: {  	_ = 	snop;
	(pc) =	sbr.ind lr, $3  }
0x3a: {  	_ = 	snop  }
0x3b: {  	_ = 	snop  }
0x3c: {  	p2 =	seq.s32 s10, $0x1;
	s10 =	sld [smem:$0x3FB2]  }
0x3d: {  	_ =	shalt  }
0x3e: {  	_ =	shalt  }
0x3f: {  	_ =	shalt  }
0x40: {  	_ =	shalt  }
0x41: {  	_ =	shalt  }
0x42: {  	_ =	shalt  }
0x43: {  	_ =	shalt  }
0x44: {  	_ =	shalt  }
0x45: {  	_ =	shalt  }
0x46: {  	_ =	shalt  }
0x47: {  	_ =	shalt  }
0x48: {  	_ =	shalt  }
0x49: {  	_ =	shalt  }
0x4a: {  	_ =	shalt  }
0x4b: {  	_ =	shalt  }
0x4c: {  	_ =	shalt  }
0x4d: {  	_ =	shalt  }
0x4e: {  	_ =	shalt  }
0x4f: {  	_ =	shalt  }
0x50: {  	_ =	shalt  }
0x51: {  	_ =	shalt  }
0x52: {  	_ =	shalt  }
0x53: {  	_ =	shalt  }
0x54: {  	_ =	shalt  }
0x55: {  	_ =	shalt  }
0x56: {  	_ =	shalt  }
0x57: {  	_ =	shalt  }
0x58: {  	_ =	shalt  }
0x59: {  	_ =	shalt  }
0x5a: {  	_ =	shalt  }
0x5b: {  	_ =	shalt  }
0x5c: {  	_ =	shalt  }
0x5d: {  	_ =	shalt  }
0x5e: {  	_ =	shalt  }
0x5f: {  	_ =	shalt  }
0x60: {  	_ =	shalt  }
0x61: {  	_ =	shalt  }
0x62: {  	_ =	shalt  }
0x63: {  	_ =	shalt  }
0x64: {  	_ =	shalt  }
0x65: {  	_ =	shalt  }
0x66: {  	_ =	shalt  }
0x67: {  	_ =	shalt  }
0x68: {  	_ =	shalt  }
0x69: {  	_ =	shalt  }
0x6a: {  	_ =	shalt  }
0x6b: {  	_ =	shalt  }
0x6c: {  	_ =	shalt  }
0x6d: {  	_ =	shalt  }
0x6e: {  	_ =	shalt  }
0x6f: {  	_ =	shalt  }
0x70: {  	_ =	shalt  }
0x71: {  	_ =	shalt  }
0x72: {  	_ =	shalt  }
0x73: {  	_ =	shalt  }
0x74: {  	_ =	shalt  }
0x75: {  	_ =	shalt  }
0x76: {  	_ =	shalt  }
0x77: {  	_ =	shalt  }
0x78: {  	_ =	shalt  }
0x79: {  	_ =	shalt  }
0x7a: {  	_ =	shalt  }
0x7b: {  	_ =	shalt  }
0x7c: {  	_ =	shalt  }
0x7d: {  	_ =	shalt  }
0x7e: {  	_ =	shalt  }
0x7f: {  	_ =	shalt  }
0x80: {  	_ =	shalt  }
0x81: {  	_ =	shalt  }
0x82: {  	_ =	shalt  }
0x83: {  	_ =	shalt  }
0x84: {  	_ =	shalt  }
0x85: {  	_ =	shalt  }
0x86: {  	_ =	shalt  }
0x87: {  	_ =	shalt  }
.Lfunc_end0:
.L_simem_size_0:
called_computation_lowered:
.L_overlay_start_0:
0x88: {  	s2 =	sld [smem:$0x3FD9]  }
0x89: {  	s3 =	sld [smem:$0x3FFE];
	_ =	sdelay $0x1  }
0x8a: {  	s1 =	srdreg.scid  }
0x8b: {  	s0 =	sand.u32 $0x1, s1  }
0x8c: {  	s14 =	sshll.u32 s0, $0xA;
	s2 =	sadd.s32 s3, s2  }
0x8d: {  	s2 =	sadd.s32 s2, s14  }
0x8e: {  	[smem:$0x3FBE] =	sst s2  }
0x8f: {  	_ = 	snop  }
0x90: {  	s2 =	sld [smem:$0x3FD0];
	_ =	sdelay $0x2  }
0x91: {  	s15 =	simm.s32 $0xA;
	s4 =	simm.s32 $0x10  }
0x92: {  	[smem:s4], [sflag:s15] =	dma.local [hbm:s2], $0x1  }
0x93: {  	_ =	swait.eq [sflag:s15], $0x1  }
0x94: {  	[sflag:s15] =	ssyncset.done $0x0  }
0x95: {  	s16 =	sld [smem:$0x10];
	[sflag:s15] =	ssyncadd.s32 $0xFFFFFFFF  }
0x96: {  	s17 =	sld [smem:$0x11];
	(tm) =	ssettm $0x1  }
0x97: {  	s18 =	sld [smem:$0x3FFB];
	_ =	sdelay $0x3  }
0x98: {  	_ =	strace s18  }
0x99: {  	s4 =	sld [smem:$0x3FFC];
	_ =	sdelay $0x3  }
0x9a: {  	_ =	strace s4  }
0x9b: {  	s4 =	sld [smem:$0x3FFD];
	_ =	sdelay $0x3  }
0x9c: {  	_ =	strace s4  }
0x9d: {  	_ =	strace $0x8FFFFFFF  }
0x9e: {  	s19 =	sld [smem:$0x3FDB];
	_ =	sdelay $0x1  }
0x9f: {  	s5 =	simm.s32 $_scs_section_size  }
0xa0: {  	s6 =	simm.s32 $_size__tile_overlayer_lowered;
	s7 =	simm.s32 $_tile_overlayer_lowered  }
0xa1: {  	s22 =	simm.s32 $0x1BFF;
	s21 =	sshll.u32 s7, $0x1;
	s4 =	sadd.s32 s5, s19  }
0xa2: {  	s8 =	simm.s32 $0x0;
	s20 =	sshll.u32 s6, $0x1;
	s6 =	sadd.s32 s21, s4  }
0xa3: {  	[timem:s8], [sflag:s22] =	dma.local [hbm:s6], s20  }
0xa4: {  	_ =	swait.ge [sflag:s22], s20  }
0xa5: {  	s5 =	ssub.s32 $0x0, s20;
	[sflag:s22] =	ssyncset.done $0x0  }
0xa6: {  	[sflag:s22] =	ssyncadd.s32 s5;
	_ =	sdelay $0x1  }
0xa7: {  	s23 =	simm.s32 $0x1B8B  }
0xa8: {  	_ =	swait.ge [sflag:s23], $0x1  }
0xa9: {  	[sflag:s23] =	ssyncset.done $0x0  }
0xaa: {  	s25 =	simm.s32 $0x1B8E;
	s24 =	sld [smem:$0x3FFE];
	[sflag:s23] =	ssyncadd.s32 $0xFFFFFFFF  }
0xab: {  	s26 =	simm.s32 $execute0_lowered;
	[smem:$0x3FD2] =	sst s25  }
0xac: {  	s6 =	sshll.u32 s26, $0x1;
	_ =	strace $0x80000046;
	[dreg:$0x1] =	wrdreg $0xFFFFFFFF  }
0xad: {  	s28 =	simm.s32 $_size_execute0_lowered;
	s4 =	sadd.s32 s4, s6;
	[dreg:$0x0] =	wrdreg $0x0  }
0xae: {  	s6 =	sshll.u32 s28, $0x1;
	[dreg:$0x2] =	wrdreg s4  }
0xaf: {  	[dreg:$0x3] =	wrdreg s6  }
0xb0: {  	[dreg:$0x4] =	wrdreg $0xC0  }
0xb1: {  	_ =	task [dreg:s8], $0x5FFFF  }
0xb2: {  	[dreg:$0x1] =	wrdreg $0xFFFFFFFF  }
0xb3: {  	[dreg:$0x0] =	wrdreg $0x60  }
0xb4: {  	[dreg:$0x2] =	wrdreg s24  }
0xb5: {  	[dreg:$0x3] =	wrdreg s16  }
0xb6: {  	[dreg:$0x4] =	wrdreg s17  }
0xb7: {  	[dreg:$0x5] =	wrdreg $0x0  }
0xb8: {  	[dreg:$0x6] =	wrdreg $0x9  }
0xb9: {  	_ =	task.clear_ibuf [dreg:s8], $0x7FFFF;
	_ =	strace $0x90000046  }
0xba: {  	s29 =	simm.s32 $0x9;
	_ =	strace $0x80000048  }
0xbb: {  	_ =	swait.ge [sflag:s29], $0x1  }
0xbc: {  	[sflag:s29] =	ssyncadd.s32 $0xFFFFFFFF  }
0xbd: {  	_ =	strace $0x90000048  }
0xbe: {  	_ =	sfence  }
0xbf: {  	s30 =	sld [smem:$0x0];
	_ =	sdelay $0x2  }
0xc0: {  	s31 =	sshll.u32 s1, $0xD;
	s1 =	sshrl.u32 s1, $0x2  }
0xc1: {  	s3 =	sand.u32 $0x4000, s31;
	s1 =	sadd.s32 s1, s30  }
0xc2: {  	s0 =	sor.u32 s3, s0;
	s1 =	sshll.u32 s1, $0x11  }
0xc3: {  	s0 =	sor.u32 s1, s0  }
0xc4: {  	s0 =	sadd.s32 $0x8F2B, s0  }
0xc5: {  	[sflag:s0] =	ssyncadd.remote.s32 $0x1  }
0xc6: {  	_ =	sfence.sel $0xFFFF  }
0xc7: {  	[dreg:$0x0] =	wrdreg $0xFFFFFFFF;
	(pc) =	sbr.abs _section_cstart, $3  }
0xc8: {  	[dreg:$0x1] =	wrdreg $0xFFFFFFFF  }
0xc9: {  	_ =	task.clear_ibuf [dreg:s8], $0x2FFFF;
	_ =	strace $0x9FFFFFFF  }
0xca: {  	(tm) =	ssettm $0x7FFFFFFF  }
0xcb: {  	_ =	shalt  }
tec
execute0_lowered:
.L_overlay_start_1:
0x0: {  	(tag) =	ssettag $0x1  }
0x1: {  	s6 =	rddreg [dreg:$0x0]  }
0x2: {  	s1 =	rddreg [dreg:$0x1]  }
0x3: {  	s3 =	rddreg [dreg:$0x2]  }
0x4: {  	s0 =	srdreg.scid;
	s4 =	rddreg [dreg:$0x3]  }
0x5: {  	s2 =	rddreg [dreg:$0x4];
	s7 =	sand.u32 $0x1, s0  }
0x6: {  	s5 =	simm.s32 $0x0;
	s0 =	stileid.u32;
	s8 =	smul.u32 $0x27800, s7  }
0x7: {  	s15 =	simm.s32 $0x80;
	s18 =	simm.s32 $0x0;
	s9 =	smul.u32 $0x2780, s0  }
0x8: {  	[smem:$0x7FF] =	sst s5;
	s13 =	sadd.s32 $0xCA00, s6;
	s26 =	smul.u32 $0x5000, s0  }
0x9: {  	s17 =	sadd.s32 $0x13800, s4;
	s28 =	ssub.s32 $0x2, s7;
	s7 =	smul.u32 $0x13880, s7  }
0xa: {  	_ =	strace $0x80000047;
	s12 =	smul.u32 $0x1380, s0;
	p0 =	sne.s32 s0, $0xF  }
0xb: {  	s29 =	sshll.u32 s0, $0x6;
	s11 =	sshrl.u32 s28, $0x1;
	s17 =	sshrl.u32 @!p0 s17, $0x3  }
0xc: {  	s8 =	sadd.s32 s9, s8;
	s9 =	sshrl.u32 s26, $0x2;
	s11 =	ssub.s32 s28, s11  }
0xd: {  	s30 =	sadd.s32 s12, s7;
	s7 =	sshrl.u32 s7, $0x3;
	s16 =	sadd.s32 s12, s4  }
0xe: {  	s12 =	simm.s32 $0x1;
	s8 =	sshrl.u32 s8, $0x3;
	s14 =	sadd.s32 s9, s4  }
0xf: {  	s31 =	sadd.s32 s13, s7;
	s9 =	smax.u32 s11, $0x1;
	s16 =	sshrl.u32 s16, $0x3  }
0x10: {  	s10 =	sadd.s32 s8, s6;
	s6 =	sor.u32 $0x1C01, s29;
	s8 =	sshrl.u32 s30, $0x3  }
0x11: {  	s11 =	sshrl.u32 s14, $0x3;
	s14 =	simm.s32 $0x1400;
	s7 =	sadd.s32 s13, s8  }
0x12: {  	s8 =	sadd.s32 $0x2700, s31;
	s10 =	sadd.s32 $0x2C00, s10;
	s13 =	simm.s32 $0x1480  }
.LBB2_1:
0x13: {  	[spmem:s11], [sflag:s6] =	dma.local [hbm:s3], $0x280  }
0x14: {  	_ =	swait.ge [sflag:s12], $0x280  }
0x15: {  	[sflag:s12] =	ssyncset.done $0x0  }
0x16: {  	[sflag:s12] =	ssyncadd.s32 $0xFFFFFD80  }
0x17: {  	[tilespmem:s13], [sflag:$0x1] =	stream.linear.gather [hbm4b:s1+s5], $0x400, $0x38;
	[tilespmem:$0x1880] =	vst v63  }
0x18: {  	_ =	swait.ge [sflag:s12], $0x400  }
0x19: {  	[sflag:s12] =	ssyncset.done $0x0  }
0x1a: {  	[sflag:s12] =	ssyncadd.s32 $0xFFFFFC00  }
0x1b: {  	s19 =	sadd.s32 $0x0, s10;
	[bflag:$0x0] =	sbarrier.arrive $0xFFFF  }
0x1c: {  	[tilespmem:s14], [sflag:$0x1] =	stream.linear.gather [hbm4b:s19+s5], $0x80, $0x38;
	[tilespmem:$0x1880] =	vst v63  }
0x1d: {  	_ =	swait.ge [sflag:s12], $0x80  }
0x1e: {  	[sflag:s12] =	ssyncset.done $0x0  }
0x1f: {  	[sflag:s12] =	ssyncadd.s32 $0xFFFFFF80  }
0x20: {  	[spmem:s4] =	stream.indirect.scatter.add.f32 [tilespmem:s13], [sflag:$0x1], $0x8, s14, s15, $0xb8;
	[tilespmem:$0x1880] =	vst v63  }
0x21: {  	_ =	swait.ge [sflag:s12], $0x400  }
0x22: {  	s20 =	simm.s32 $0x20;
	s19 =	simm.s32 $0x10;
	[sflag:s12] =	ssyncset.done $0x0  }
.LBB2_2:
0x23: {  	s21 =	sadd.s32 s19, s10  }
0x24: {  	[sflag:s12] =	ssyncadd.s32 $0xFFFFFC00;
	s19 =	smov.u32 s20;
	s22 =	sadd.s32 $0x10, s20  }
0x25: {  	[tilespmem:s14], [sflag:$0x1] =	stream.linear.gather [hbm4b:s21+s5], $0x80, $0x38;
	[tilespmem:$0x1880] =	vst v63  }
0x26: {  	p1 =	sne.s32 s20, $0x4E0;
	_ =	swait.ge [sflag:s12], $0x80  }
.Ltmp0:
0x27: {  	[sflag:s12] =	ssyncset.done $0x0;
	(pc) =	sbr.rel @p1 .LBB2_2-.Ltmp0, $4  }
0x28: {  	[sflag:s12] =	ssyncadd.s32 $0xFFFFFF80  }
0x29: {  	[spmem:s4] =	stream.indirect.scatter.add.f32 [tilespmem:s13], [sflag:$0x1], $0x8, s14, s15, $0xb8;
	[tilespmem:$0x1880] =	vst v63  }
0x2a: {  	_ =	swait.ge [sflag:s12], $0x400  }
0x2b: {  	s20 =	smov.u32 s22;
	[sflag:s12] =	ssyncset.done $0x0  }
0x2c: {  	s19 =	sadd.s32 s19, s10;
	[sflag:s12] =	ssyncadd.s32 $0xFFFFFC00  }
0x2d: {  	[tilespmem:s14], [sflag:$0x1] =	stream.linear.gather [hbm4b:s19+s5], $0x80, $0x38;
	[tilespmem:$0x1880] =	vst v63  }
0x2e: {  	_ =	swait.ge [sflag:s12], $0x80  }
0x2f: {  	[sflag:s12] =	ssyncset.done $0x0  }
0x30: {  	[sflag:s12] =	ssyncadd.s32 $0xFFFFFF80  }
0x31: {  	[spmem:s4] =	stream.indirect.scatter.add.f32 [tilespmem:s13], [sflag:$0x1], $0x8, s14, s15, $0xb8;
	[tilespmem:$0x1880] =	vst v63  }
0x32: {  	_ =	swait.ge [sflag:s12], $0x400  }
0x33: {  	[sflag:s12] =	ssyncset.done $0x0  }
0x34: {  	[sflag:s12] =	ssyncadd.s32 $0xFFFFFC00  }
0x35: {  	[bflag:$0x0] =	sbarrier.arrive $0xFFFF  }
0x36: {  	[hbm:s7], [sflag:s6] =	dma.local [spmem:s16], $0x270  }
0x37: {  	s18 =	sadd.s32 $0x1, s18;
	_ =	swait.ge [sflag:s12], $0x270  }
0x38: {  	p1 =	sne.s32 s18, s9;
	[sflag:s12] =	ssyncset.done $0x0  }
.Ltmp1:
0x39: {  	s19 =	simm.s32 @!p0 $0x1;
	[sflag:s12] =	ssyncadd.s32 $0xFFFFFD90;
	(pc) =	sbr.rel @p1 .LBB2_1-.Ltmp1, $4  }
0x3a: {  	[hbm:s8], [sflag:s6] =	dma.local @!p0 [spmem:s17], $0x10  }
0x3b: {  	_ =	swait.ge @!p0 [sflag:s19], $0x10  }
0x3c: {  	[sflag:s19] =	ssyncset.done @!p0 $0x0  }
0x3d: {  	[sflag:s19] =	ssyncadd.s32 @!p0 $0xFFFFFFF0  }
0x3e: {  	_ =	sfence.sel $0x180000  }
0x3f: {  	[bflag:$0x0] =	sbarrier.arrive $0xFFFF  }
0x40: {  	p0 =	sne.s32 s0, $0x0;
	_ =	strace $0x90000047  }
0x41: {  	s0 =	sadd.s32 @!p0 $0x100000, s2;
	[bflag:$0x2] =	sbarrier.arrive $0xFFFF  }
0x42: {  	[sflag:s0] =	ssyncadd.tile.s32 @!p0 $0x1;
	_ =	shalt  }
.Lfunc_end2:
_tile_overlayer_lowered:
.L_overlay_start_2:
0x43: {  	(tag) =	ssettag $0x2  }
0x44: {  	s0 =	rddreg [dreg:$0x0];
	s2 =	stileid.u32  }
0x45: {  	s1 =	rddreg [dreg:$0x1];
	p0 =	sne.s32 s2, $0x0  }
0x46: {  	s3 =	rddreg [dreg:$0x2];
	[bflag:$0x3] =	sbarrier.arrive $0xFFFF;
	s2 =	simm.s32 @!p0 $0x1C01  }
0x47: {  	[timem:s3], [sflag:s2] =	dma.local @!p0 [hbm:s0], s1  }
0x48: {  	s0 =	simm.s32 @!p0 $0x1  }
0x49: {  	_ =	swait.ge @!p0 [sflag:s0], s1  }
0x4a: {  	s1 =	ssub.s32 @!p0 $0x0, s1;
	[sflag:s0] =	ssyncset.done @!p0 $0x0  }
0x4b: {  	[sflag:s0] =	ssyncadd.s32 @!p0 s1  }
0x4c: {  	[bflag:$0x3] =	sbarrier.arrive $0xFFFF  }
0x4d: {  	_ =	shalt  }

// kernel: kernel.13.cloned.1.call-start
scs
__scs_entry_jumppad:
0x0: {  	(pc) =	sbr.rel $0x88, $3  }
0x1: {  	(tag) =	ssettag $0x0;
	lr =	simm.s32 $0x1  }
0x2: {  	[smem:$0x3F97] =	sst lr;
	_ =	strace $0xD0000000  }
0x3: {  	_ = 	snop  }
0x4: {  	_ = 	snop  }
0x5: {  	_ = 	snop  }
0x6: {  	_ = 	snop  }
0x7: {  	_ = 	snop  }
__scs_overlays_trampoline_lowered:
0x8: {  	[smem:$0x3FA6] =	sst s0  }
0x9: {  	[smem:$0x3FA7] =	sst s1  }
0xa: {  	[smem:$0x3FA8] =	sst s2  }
0xb: {  	[smem:$0x3FA9] =	sst s3  }
0xc: {  	[smem:$0x3FAA] =	sst s4  }
0xd: {  	[smem:$0x3FAB] =	sst s5  }
0xe: {  	[smem:$0x3FAC] =	sst s6  }
0xf: {  	[smem:$0x3FAD] =	sst s7  }
0x10: {  	[smem:$0x3FAE] =	sst s8  }
0x11: {  	[smem:$0x3FAF] =	sst s9;
	s0 =	simm.s32 @!p0 $0x0  }
0x12: {  	s1 =	sld [smem:$0x3F95];
	s0 =	simm.s32 @p0 $0x1  }
0x13: {  	[smem:$0x3FB0] =	sst s0;
	s0 =	simm.s32 @!p1 $0x0  }
0x14: {  	s2 =	sld [smem:$0x3F94];
	s0 =	simm.s32 @p1 $0x1  }
0x15: {  	[smem:$0x3FB1] =	sst s0;
	s0 =	simm.s32 @!p2 $0x0  }
0x16: {  	s3 =	sld [smem:$0x3FDB];
	s0 =	simm.s32 @p2 $0x1  }
0x17: {  	s4 =	simm.s32 $0x1BF5;
	[smem:$0x3FB3] =	sst s0  }
0x18: {  	s0 =	sld [smem:$0x3F96];
	_ =	swait.ge [sflag:s4], $0x0  }
0x19: {  	s7 =	sld [smem:$0x3F97]  }
0x1a: {  	s8 =	sadd.s32 $0xFFFFE003, lr  }
0x1b: {  	s9 =	sadd.s32 $0xFFFFFEF7, lr;
	s5 =	simm.s32 $0xFFFFFFFF;
	p2 =	slt.u32 s8, $0xFFFFF086  }
0x1c: {  	p1 =	slt.u32 s9, $0xF7A;
	s5 =	simm.s32 @!p2 $0x0  }
0x1d: {  	s5 =	simm.s32 @p1 $0x1;
	p0 =	seq.s32 s7, s2  }
0x1e: {  	s7 =	smul.u32 @!p0 $0xF7A, s2;
	p2 =	seq.s32 @!p0 s5, $0x0  }
0x1f: {  	s9 =	smul.u32 $0xF7A, s1;
	s8 =	simm.s32 @!p0 $0x1BF5;
	p2 =	por !p2, p0  }
0x20: {  	[sflag:s8] =	ssyncset.s32 @!p0 $0xFFFFF086;
	s6 =	sadd.s32 @!p0 s3, s7;
	s7 =	simm.s32 @!p0 $0x108  }
0x21: {  	s3 =	sadd.s32 s3, s9;
	s6 =	sadd.s32 @!p0 $0x88, s6;
	s7 =	simm.s32 @p2 $0x1082  }
0x22: {  	[simem:s7], [sflag:s8] =	dma.local @!p0 [hbm:s6], $0xF7A  }
0x23: {  	s9 =	sor.u32 $0xD0000000, s2;
	s6 =	simm.s32 $0x108;
	_ =	swait.ge @!p0 [sflag:s8], $0x0  }
0x24: {  	s3 =	sadd.s32 $0x88, s3;
	s6 =	simm.s32 @!p1 $0x1082;
	[sflag:s4] =	ssyncset.s32 $0xFFFFF086  }
0x25: {  	[simem:s6], [sflag:s4] =	dma.local [hbm:s3], $0xF7A  }
0x26: {  	[smem:$0x3F97] =	sst s1;
	(tag) =	ssettag s2;
	_ =	strace s9  }
0x27: {  	s1 =	sld [smem:$0x3FA7]  }
0x28: {  	s2 =	sld [smem:$0x3FA8]  }
0x29: {  	s4 =	sld [smem:$0x3FAA]  }
0x2a: {  	p0 =	seq.s32 s5, $0x0;
	s5 =	sld [smem:$0x3FAB]  }
0x2b: {  	s6 =	sld [smem:$0x3FAC]  }
0x2c: {  	s7 =	sld [smem:$0x3FAD]  }
0x2d: {  	s3 =	simm.s32 $0x108;
	s8 =	sld [smem:$0x3FAE]  }
0x2e: {  	s3 =	simm.s32 @!p0 $0x1082;
	s9 =	sld [smem:$0x3FAF]  }
0x2f: {  	lr =	sadd.s32 s0, s3;
	s0 =	sld [smem:$0x3FA6]  }
0x30: {  	s3 =	sld [smem:$0x3FA9]  }
0x31: {  	[smem:$0x3FB2] =	sst s10  }
0x32: {  	s10 =	sld [smem:$0x3FB0];
	_ =	sdelay $0x3  }
0x33: {  	p0 =	seq.s32 s10, $0x1;
	s10 =	sld [smem:$0x3FB2];
	_ =	sdelay $0x3  }
0x34: {  	[smem:$0x3FB2] =	sst s10  }
0x35: {  	s10 =	sld [smem:$0x3FB1];
	_ =	sdelay $0x3  }
0x36: {  	p1 =	seq.s32 s10, $0x1;
	s10 =	sld [smem:$0x3FB2];
	_ =	sdelay $0x3  }
0x37: {  	[smem:$0x3FB2] =	sst s10  }
0x38: {  	s10 =	sld [smem:$0x3FB3]  }
0x39: {  	_ = 	snop;
	(pc) =	sbr.ind lr, $3  }
0x3a: {  	_ = 	snop  }
0x3b: {  	_ = 	snop  }
0x3c: {  	p2 =	seq.s32 s10, $0x1;
	s10 =	sld [smem:$0x3FB2]  }
0x3d: {  	_ =	shalt  }
0x3e: {  	_ =	shalt  }
0x3f: {  	_ =	shalt  }
0x40: {  	_ =	shalt  }
0x41: {  	_ =	shalt  }
0x42: {  	_ =	shalt  }
0x43: {  	_ =	shalt  }
0x44: {  	_ =	shalt  }
0x45: {  	_ =	shalt  }
0x46: {  	_ =	shalt  }
0x47: {  	_ =	shalt  }
0x48: {  	_ =	shalt  }
0x49: {  	_ =	shalt  }
0x4a: {  	_ =	shalt  }
0x4b: {  	_ =	shalt  }
0x4c: {  	_ =	shalt  }
0x4d: {  	_ =	shalt  }
0x4e: {  	_ =	shalt  }
0x4f: {  	_ =	shalt  }
0x50: {  	_ =	shalt  }
0x51: {  	_ =	shalt  }
0x52: {  	_ =	shalt  }
0x53: {  	_ =	shalt  }
0x54: {  	_ =	shalt  }
0x55: {  	_ =	shalt  }
0x56: {  	_ =	shalt  }
0x57: {  	_ =	shalt  }
0x58: {  	_ =	shalt  }
0x59: {  	_ =	shalt  }
0x5a: {  	_ =	shalt  }
0x5b: {  	_ =	shalt  }
0x5c: {  	_ =	shalt  }
0x5d: {  	_ =	shalt  }
0x5e: {  	_ =	shalt  }
0x5f: {  	_ =	shalt  }
0x60: {  	_ =	shalt  }
0x61: {  	_ =	shalt  }
0x62: {  	_ =	shalt  }
0x63: {  	_ =	shalt  }
0x64: {  	_ =	shalt  }
0x65: {  	_ =	shalt  }
0x66: {  	_ =	shalt  }
0x67: {  	_ =	shalt  }
0x68: {  	_ =	shalt  }
0x69: {  	_ =	shalt  }
0x6a: {  	_ =	shalt  }
0x6b: {  	_ =	shalt  }
0x6c: {  	_ =	shalt  }
0x6d: {  	_ =	shalt  }
0x6e: {  	_ =	shalt  }
0x6f: {  	_ =	shalt  }
0x70: {  	_ =	shalt  }
0x71: {  	_ =	shalt  }
0x72: {  	_ =	shalt  }
0x73: {  	_ =	shalt  }
0x74: {  	_ =	shalt  }
0x75: {  	_ =	shalt  }
0x76: {  	_ =	shalt  }
0x77: {  	_ =	shalt  }
0x78: {  	_ =	shalt  }
0x79: {  	_ =	shalt  }
0x7a: {  	_ =	shalt  }
0x7b: {  	_ =	shalt  }
0x7c: {  	_ =	shalt  }
0x7d: {  	_ =	shalt  }
0x7e: {  	_ =	shalt  }
0x7f: {  	_ =	shalt  }
0x80: {  	_ =	shalt  }
0x81: {  	_ =	shalt  }
0x82: {  	_ =	shalt  }
0x83: {  	_ =	shalt  }
0x84: {  	_ =	shalt  }
0x85: {  	_ =	shalt  }
0x86: {  	_ =	shalt  }
0x87: {  	_ =	shalt  }
.Lfunc_end0:
.L_simem_size_0:
called_computation.1_lowered:
.L_overlay_start_0:
0x88: {  	s2 =	sld [smem:$0x3FD9]  }
0x89: {  	s3 =	sld [smem:$0x3FFE];
	_ =	sdelay $0x1  }
0x8a: {  	s1 =	srdreg.scid  }
0x8b: {  	s0 =	sand.u32 $0x1, s1  }
0x8c: {  	s16 =	sshll.u32 s0, $0xA;
	s2 =	sadd.s32 s3, s2  }
0x8d: {  	s2 =	sadd.s32 s2, s16  }
0x8e: {  	[smem:$0x3FBE] =	sst s2  }
0x8f: {  	_ = 	snop  }
0x90: {  	(tm) =	ssettm $0x1  }
0x91: {  	s17 =	sld [smem:$0x3FFB];
	_ =	sdelay $0x3  }
0x92: {  	_ =	strace s17  }
0x93: {  	s2 =	sld [smem:$0x3FFC];
	_ =	sdelay $0x3  }
0x94: {  	_ =	strace s2  }
0x95: {  	s2 =	sld [smem:$0x3FFD];
	_ =	sdelay $0x3  }
0x96: {  	_ =	strace s2  }
0x97: {  	_ =	strace $0x8FFFFFFF  }
0x98: {  	s18 =	sld [smem:$0x3FDB];
	_ =	sdelay $0x1  }
0x99: {  	s19 =	simm.s32 $_scs_section_size  }
0x9a: {  	s4 =	simm.s32 $_size__tile_overlayer_lowered;
	s5 =	simm.s32 $_tile_overlayer_lowered  }
0x9b: {  	s22 =	simm.s32 $0x1BFF;
	s21 =	sshll.u32 s5, $0x1;
	s2 =	sadd.s32 s19, s18  }
0x9c: {  	s6 =	simm.s32 $0x0;
	s20 =	sshll.u32 s4, $0x1;
	s4 =	sadd.s32 s21, s2  }
0x9d: {  	[timem:s6], [sflag:s22] =	dma.local [hbm:s4], s20  }
0x9e: {  	_ =	swait.ge [sflag:s22], s20  }
0x9f: {  	s3 =	ssub.s32 $0x0, s20;
	[sflag:s22] =	ssyncset.done $0x0  }
0xa0: {  	[sflag:s22] =	ssyncadd.s32 s3;
	_ =	sdelay $0x1  }
0xa1: {  	s23 =	simm.s32 $0x1B8B  }
0xa2: {  	_ =	swait.ge [sflag:s23], $0x1  }
0xa3: {  	[sflag:s23] =	ssyncset.done $0x0  }
0xa4: {  	s25 =	simm.s32 $0x1B8E;
	s24 =	sld [smem:$0x3FFE];
	[sflag:s23] =	ssyncadd.s32 $0xFFFFFFFF  }
0xa5: {  	s26 =	simm.s32 $execute0_lowered;
	[smem:$0x3FD2] =	sst s25  }
0xa6: {  	s4 =	sshll.u32 s26, $0x1;
	_ =	strace $0x80000049;
	[dreg:$0x1] =	wrdreg $0xFFFFFFFF  }
0xa7: {  	s28 =	simm.s32 $_size_execute0_lowered;
	s2 =	sadd.s32 s2, s4;
	[dreg:$0x0] =	wrdreg $0x0  }
0xa8: {  	s4 =	sshll.u32 s28, $0x1;
	[dreg:$0x2] =	wrdreg s2  }
0xa9: {  	[dreg:$0x3] =	wrdreg s4  }
0xaa: {  	[dreg:$0x4] =	wrdreg $0xC0  }
0xab: {  	_ =	task [dreg:s6], $0x5FFFF  }
0xac: {  	[dreg:$0x1] =	wrdreg $0xFFFFFFFF  }
0xad: {  	[dreg:$0x0] =	wrdreg $0x60  }
0xae: {  	[dreg:$0x2] =	wrdreg s24  }
0xaf: {  	[dreg:$0x3] =	wrdreg $0x0  }
0xb0: {  	[dreg:$0x4] =	wrdreg $0x9  }
0xb1: {  	_ =	task.clear_ibuf [dreg:s6], $0x5FFFF;
	_ =	strace $0x90000049  }
0xb2: {  	s29 =	simm.s32 $0x9;
	_ =	strace $0x8000004B  }
0xb3: {  	_ =	swait.ge [sflag:s29], $0x1  }
0xb4: {  	[sflag:s29] =	ssyncadd.s32 $0xFFFFFFFF  }
0xb5: {  	_ =	strace $0x9000004B  }
0xb6: {  	_ =	sfence  }
0xb7: {  	s30 =	sld [smem:$0x0];
	_ =	sdelay $0x2  }
0xb8: {  	s31 =	sshll.u32 s1, $0xD;
	s1 =	sshrl.u32 s1, $0x2  }
0xb9: {  	s3 =	sand.u32 $0x4000, s31;
	s1 =	sadd.s32 s1, s30  }
0xba: {  	s0 =	sor.u32 s3, s0;
	s1 =	sshll.u32 s1, $0x11  }
0xbb: {  	s0 =	sor.u32 s1, s0  }
0xbc: {  	s0 =	sadd.s32 $0x8F2B, s0  }
0xbd: {  	[sflag:s0] =	ssyncadd.remote.s32 $0x1  }
0xbe: {  	_ =	sfence.sel $0xFFFF  }
0xbf: {  	[dreg:$0x0] =	wrdreg $0xFFFFFFFF;
	(pc) =	sbr.abs _section_cstart, $3  }
0xc0: {  	[dreg:$0x1] =	wrdreg $0xFFFFFFFF  }
0xc1: {  	_ =	task.clear_ibuf [dreg:s6], $0x2FFFF;
	_ =	strace $0x9FFFFFFF  }
0xc2: {  	(tm) =	ssettm $0x7FFFFFFF  }
0xc3: {  	_ =	shalt  }
tec
execute0_lowered:
.L_overlay_start_1:
0x0: {  	(tag) =	ssettag $0x1  }
0x1: {  	s6 =	rddreg [dreg:$0x0]  }
0x2: {  	s2 =	rddreg [dreg:$0x1]  }
0x3: {  	s0 =	srdreg.scid;
	s1 =	rddreg [dreg:$0x2]  }
0x4: {  	s3 =	simm.s32 $0x0;
	s15 =	simm.s32 $0x14080;
	s7 =	sand.u32 $0x1, s0  }
0x5: {  	s16 =	simm.s32 $0x80;
	s0 =	stileid.u32;
	s4 =	smul.u32 $0x27800, s7  }
0x6: {  	s17 =	simm.s32 $0x14100;
	s18 =	simm.s32 $0x1;
	s5 =	smul.u32 $0x2780, s0  }
0x7: {  	s21 =	simm.s32 $0x0;
	[smem:$0x7FF] =	sst s3;
	s8 =	smul.u32 $0x50000, s0  }
0x8: {  	s13 =	sadd.s32 $0x90C00, s6;
	s9 =	ssub.s32 $0x2, s7;
	s7 =	smul.u32 $0x138800, s7  }
0x9: {  	s20 =	sadd.s32 $0x138000, s2;
	_ =	strace $0x8000004A;
	s12 =	smul.u32 $0x13800, s0  }
0xa: {  	s29 =	sshll.u32 s0, $0x6;
	p0 =	sne.s32 s0, $0xF;
	s10 =	sshrl.u32 s9, $0x1  }
0xb: {  	s20 =	sshrl.u32 @!p0 s20, $0x3;
	s4 =	sadd.s32 s5, s4;
	s5 =	sadd.s32 $0xCA00, s6  }
0xc: {  	s8 =	sshrl.u32 s8, $0x2;
	s9 =	ssub.s32 s9, s10;
	s30 =	sadd.s32 s12, s7  }
0xd: {  	s7 =	sshrl.u32 s7, $0x3;
	s19 =	sadd.s32 s12, s2;
	s4 =	sshrl.u32 s4, $0x3  }
0xe: {  	s14 =	sadd.s32 s8, s2;
	s8 =	sshrl.u32 s30, $0x3;
	s31 =	sadd.s32 s13, s7  }
0xf: {  	s9 =	smax.u32 s9, $0x1;
	s19 =	sshrl.u32 s19, $0x3;
	s11 =	sadd.s32 s4, s6  }
0x10: {  	s4 =	sadd.s32 $0x69A00, s6;
	s6 =	sor.u32 $0x1C02, s29;
	s7 =	sadd.s32 s13, s8  }
0x11: {  	s8 =	sadd.s32 $0x27000, s31;
	s12 =	sshrl.u32 s14, $0x3;
	s13 =	simm.s32 $0x2  }
0x12: {  	s14 =	simm.s32 $0x14000;
	s10 =	sadd.s32 $0x2C00, s11;
	s11 =	sadd.s32 $0x11A00, s11  }
.LBB2_1:
0x13: {  	[spmem:s12], [sflag:s6] =	dma.local [hbm:s5], $0x2800  }
0x14: {  	_ =	swait.ge [sflag:s13], $0x2800  }
0x15: {  	[sflag:s13] =	ssyncset.done $0x0  }
0x16: {  	[sflag:s13] =	ssyncadd.s32 $0xFFFFD800  }
0x17: {  	s22 =	sadd.s32 $0x0, s11;
	[bflag:$0x0] =	sbarrier.arrive $0xFFFF  }
0x18: {  	[tilespmem:s14], [sflag:$0x2] =	stream.linear.gather [hbm4b:s22+s3], $0x80, $0x38;
	[tilespmem:$0x18100] =	vst v63  }
0x19: {  	_ =	swait.ge [sflag:s13], $0x80  }
0x1a: {  	[sflag:s13] =	ssyncset.done $0x0  }
0x1b: {  	s31 =	sadd.s32 $0x0, s10;
	[sflag:s13] =	ssyncadd.s32 $0xFFFFFF80  }
0x1c: {  	[tilespmem:s15], [sflag:$0x2] =	stream.linear.gather [hbm4b:s31+s3], $0x80, $0x38;
	[tilespmem:$0x18100] =	vst v63  }
0x1d: {  	_ =	swait.ge [sflag:s13], $0x80  }
0x1e: {  	[sflag:s13] =	ssyncset.done $0x0  }
0x1f: {  	[sflag:s13] =	ssyncadd.s32 $0xFFFFFF80  }
0x20: {  	[tilespmem:s17], [sflag:$0x1] =	stream.indirect.gather [hbm4b:s4+s16], $0x80, s14, s16, $0xb8;
	[tilespmem:$0x18100] =	vst v63  }
0x21: {  	_ =	swait.ge [sflag:s18], $0x4000  }
0x22: {  	[sflag:s18] =	ssyncset.done $0x0  }
0x23: {  	[sflag:s18] =	ssyncadd.s32 $0xFFFFC000  }
0x24: {  	[spmem:s2] =	stream.indirect.scatter.add.f32 [tilespmem:s17], [sflag:$0x2], $0x80, s15, s16, $0xb8;
	[tilespmem:$0x18100] =	vst v63  }
0x25: {  	_ =	swait.ge [sflag:s13], $0x4000  }
0x26: {  	s23 =	simm.s32 $0x20;
	s22 =	simm.s32 $0x10;
	[sflag:s13] =	ssyncset.done $0x0  }
.LBB2_2:
0x27: {  	s24 =	sadd.s32 s22, s11  }
0x28: {  	[sflag:s13] =	ssyncadd.s32 $0xFFFFC000;
	s25 =	smov.u32 s23;
	s26 =	sadd.s32 $0x10, s23  }
0x29: {  	[tilespmem:s14], [sflag:$0x2] =	stream.linear.gather [hbm4b:s24+s3], $0x80, $0x38;
	[tilespmem:$0x18100] =	vst v63  }
0x2a: {  	p1 =	sne.s32 s23, $0x4E0;
	_ =	swait.ge [sflag:s13], $0x80  }
0x2b: {  	[sflag:s13] =	ssyncset.done $0x0  }
0x2c: {  	s23 =	sadd.s32 s22, s10;
	s22 =	smov.u32 s25;
	[sflag:s13] =	ssyncadd.s32 $0xFFFFFF80  }
0x2d: {  	[tilespmem:s15], [sflag:$0x2] =	stream.linear.gather [hbm4b:s23+s3], $0x80, $0x38;
	[tilespmem:$0x18100] =	vst v63  }
0x2e: {  	_ =	swait.ge [sflag:s13], $0x80  }
0x2f: {  	[sflag:s13] =	ssyncset.done $0x0  }
0x30: {  	[sflag:s13] =	ssyncadd.s32 $0xFFFFFF80  }
0x31: {  	[tilespmem:s17], [sflag:$0x1] =	stream.indirect.gather [hbm4b:s4+s16], $0x80, s14, s16, $0xb8;
	[tilespmem:$0x18100] =	vst v63  }
0x32: {  	_ =	swait.ge [sflag:s18], $0x4000  }
.Ltmp0:
0x33: {  	[sflag:s18] =	ssyncset.done $0x0;
	(pc) =	sbr.rel @p1 .LBB2_2-.Ltmp0, $4  }
0x34: {  	[sflag:s18] =	ssyncadd.s32 $0xFFFFC000  }
0x35: {  	[spmem:s2] =	stream.indirect.scatter.add.f32 [tilespmem:s17], [sflag:$0x2], $0x80, s15, s16, $0xb8;
	[tilespmem:$0x18100] =	vst v63  }
0x36: {  	_ =	swait.ge [sflag:s13], $0x4000  }
0x37: {  	s23 =	smov.u32 s26;
	[sflag:s13] =	ssyncset.done $0x0  }
0x38: {  	s23 =	sadd.s32 s22, s11;
	[sflag:s13] =	ssyncadd.s32 $0xFFFFC000  }
0x39: {  	[tilespmem:s14], [sflag:$0x2] =	stream.linear.gather [hbm4b:s23+s3], $0x80, $0x38;
	[tilespmem:$0x18100] =	vst v63  }
0x3a: {  	_ =	swait.ge [sflag:s13], $0x80  }
0x3b: {  	[sflag:s13] =	ssyncset.done $0x0  }
0x3c: {  	s31 =	sadd.s32 s22, s10;
	[sflag:s13] =	ssyncadd.s32 $0xFFFFFF80  }
0x3d: {  	[tilespmem:s15], [sflag:$0x2] =	stream.linear.gather [hbm4b:s31+s3], $0x80, $0x38;
	[tilespmem:$0x18100] =	vst v63  }
0x3e: {  	_ =	swait.ge [sflag:s13], $0x80  }
0x3f: {  	[sflag:s13] =	ssyncset.done $0x0  }
0x40: {  	[sflag:s13] =	ssyncadd.s32 $0xFFFFFF80  }
0x41: {  	[tilespmem:s17], [sflag:$0x1] =	stream.indirect.gather [hbm4b:s4+s16], $0x80, s14, s16, $0xb8;
	[tilespmem:$0x18100] =	vst v63  }
0x42: {  	_ =	swait.ge [sflag:s18], $0x4000  }
0x43: {  	[sflag:s18] =	ssyncset.done $0x0  }
0x44: {  	[sflag:s18] =	ssyncadd.s32 $0xFFFFC000  }
0x45: {  	[spmem:s2] =	stream.indirect.scatter.add.f32 [tilespmem:s17], [sflag:$0x2], $0x80, s15, s16, $0xb8;
	[tilespmem:$0x18100] =	vst v63  }
0x46: {  	_ =	swait.ge [sflag:s13], $0x4000  }
0x47: {  	[sflag:s13] =	ssyncset.done $0x0  }
0x48: {  	[sflag:s13] =	ssyncadd.s32 $0xFFFFC000  }
0x49: {  	[bflag:$0x0] =	sbarrier.arrive $0xFFFF  }
0x4a: {  	[hbm:s7], [sflag:s6] =	dma.local [spmem:s19], $0x2700  }
0x4b: {  	s21 =	sadd.s32 $0x1, s21;
	_ =	swait.ge [sflag:s13], $0x2700  }
0x4c: {  	p1 =	sne.s32 s21, s9;
	[sflag:s13] =	ssyncset.done $0x0  }
.Ltmp1:
0x4d: {  	s22 =	simm.s32 @!p0 $0x2;
	[sflag:s13] =	ssyncadd.s32 $0xFFFFD900;
	(pc) =	sbr.rel @p1 .LBB2_1-.Ltmp1, $4  }
0x4e: {  	[hbm:s8], [sflag:s6] =	dma.local @!p0 [spmem:s20], $0x100  }
0x4f: {  	_ =	swait.ge @!p0 [sflag:s22], $0x100  }
0x50: {  	[sflag:s22] =	ssyncset.done @!p0 $0x0  }
0x51: {  	[sflag:s22] =	ssyncadd.s32 @!p0 $0xFFFFFF00  }
0x52: {  	_ =	sfence.sel $0x180000  }
0x53: {  	[bflag:$0x0] =	sbarrier.arrive $0xFFFF  }
0x54: {  	p0 =	sne.s32 s0, $0x0;
	_ =	strace $0x9000004A  }
0x55: {  	s0 =	sadd.s32 @!p0 $0x100000, s1;
	[bflag:$0x2] =	sbarrier.arrive $0xFFFF  }
0x56: {  	[sflag:s0] =	ssyncadd.tile.s32 @!p0 $0x1;
	_ =	shalt  }
.Lfunc_end2:
_tile_overlayer_lowered:
.L_overlay_start_2:
0x57: {  	(tag) =	ssettag $0x2  }
0x58: {  	s0 =	rddreg [dreg:$0x0];
	s2 =	stileid.u32  }
0x59: {  	s1 =	rddreg [dreg:$0x1];
	p0 =	sne.s32 s2, $0x0  }
0x5a: {  	s3 =	rddreg [dreg:$0x2];
	[bflag:$0x3] =	sbarrier.arrive $0xFFFF;
	s2 =	simm.s32 @!p0 $0x1C02  }
0x5b: {  	[timem:s3], [sflag:s2] =	dma.local @!p0 [hbm:s0], s1  }
0x5c: {  	s0 =	simm.s32 @!p0 $0x2  }
0x5d: {  	_ =	swait.ge @!p0 [sflag:s0], s1  }
0x5e: {  	s1 =	ssub.s32 @!p0 $0x0, s1;
	[sflag:s0] =	ssyncset.done @!p0 $0x0  }
0x5f: {  	[sflag:s0] =	ssyncadd.s32 @!p0 s1  }
0x60: {  	[bflag:$0x3] =	sbarrier.arrive $0xFFFF  }
0x61: {  	_ =	shalt  }

// kernel: kernel.16.cloned.1.call-start
scs
__scs_entry_jumppad:
0x0: {  	(pc) =	sbr.rel $0x88, $3  }
0x1: {  	(tag) =	ssettag $0x0;
	lr =	simm.s32 $0x1  }
0x2: {  	[smem:$0x3F97] =	sst lr;
	_ =	strace $0xD0000000  }
0x3: {  	_ = 	snop  }
0x4: {  	_ = 	snop  }
0x5: {  	_ = 	snop  }
0x6: {  	_ = 	snop  }
0x7: {  	_ = 	snop  }
__scs_overlays_trampoline_lowered:
0x8: {  	[smem:$0x3FA6] =	sst s0  }
0x9: {  	[smem:$0x3FA7] =	sst s1  }
0xa: {  	[smem:$0x3FA8] =	sst s2  }
0xb: {  	[smem:$0x3FA9] =	sst s3  }
0xc: {  	[smem:$0x3FAA] =	sst s4  }
0xd: {  	[smem:$0x3FAB] =	sst s5  }
0xe: {  	[smem:$0x3FAC] =	sst s6  }
0xf: {  	[smem:$0x3FAD] =	sst s7  }
0x10: {  	[smem:$0x3FAE] =	sst s8  }
0x11: {  	[smem:$0x3FAF] =	sst s9;
	s0 =	simm.s32 @!p0 $0x0  }
0x12: {  	s1 =	sld [smem:$0x3F95];
	s0 =	simm.s32 @p0 $0x1  }
0x13: {  	[smem:$0x3FB0] =	sst s0;
	s0 =	simm.s32 @!p1 $0x0  }
0x14: {  	s2 =	sld [smem:$0x3F94];
	s0 =	simm.s32 @p1 $0x1  }
0x15: {  	[smem:$0x3FB1] =	sst s0;
	s0 =	simm.s32 @!p2 $0x0  }
0x16: {  	s3 =	sld [smem:$0x3FDB];
	s0 =	simm.s32 @p2 $0x1  }
0x17: {  	s4 =	simm.s32 $0x1BF5;
	[smem:$0x3FB3] =	sst s0  }
0x18: {  	s0 =	sld [smem:$0x3F96];
	_ =	swait.ge [sflag:s4], $0x0  }
0x19: {  	s7 =	sld [smem:$0x3F97]  }
0x1a: {  	s8 =	sadd.s32 $0xFFFFE003, lr  }
0x1b: {  	s9 =	sadd.s32 $0xFFFFFEF7, lr;
	s5 =	simm.s32 $0xFFFFFFFF;
	p2 =	slt.u32 s8, $0xFFFFF086  }
0x1c: {  	p1 =	slt.u32 s9, $0xF7A;
	s5 =	simm.s32 @!p2 $0x0  }
0x1d: {  	s5 =	simm.s32 @p1 $0x1;
	p0 =	seq.s32 s7, s2  }
0x1e: {  	s7 =	smul.u32 @!p0 $0xF7A, s2;
	p2 =	seq.s32 @!p0 s5, $0x0  }
0x1f: {  	s9 =	smul.u32 $0xF7A, s1;
	s8 =	simm.s32 @!p0 $0x1BF5;
	p2 =	por !p2, p0  }
0x20: {  	[sflag:s8] =	ssyncset.s32 @!p0 $0xFFFFF086;
	s6 =	sadd.s32 @!p0 s3, s7;
	s7 =	simm.s32 @!p0 $0x108  }
0x21: {  	s3 =	sadd.s32 s3, s9;
	s6 =	sadd.s32 @!p0 $0x88, s6;
	s7 =	simm.s32 @p2 $0x1082  }
0x22: {  	[simem:s7], [sflag:s8] =	dma.local @!p0 [hbm:s6], $0xF7A  }
0x23: {  	s9 =	sor.u32 $0xD0000000, s2;
	s6 =	simm.s32 $0x108;
	_ =	swait.ge @!p0 [sflag:s8], $0x0  }
0x24: {  	s3 =	sadd.s32 $0x88, s3;
	s6 =	simm.s32 @!p1 $0x1082;
	[sflag:s4] =	ssyncset.s32 $0xFFFFF086  }
0x25: {  	[simem:s6], [sflag:s4] =	dma.local [hbm:s3], $0xF7A  }
0x26: {  	[smem:$0x3F97] =	sst s1;
	(tag) =	ssettag s2;
	_ =	strace s9  }
0x27: {  	s1 =	sld [smem:$0x3FA7]  }
0x28: {  	s2 =	sld [smem:$0x3FA8]  }
0x29: {  	s4 =	sld [smem:$0x3FAA]  }
0x2a: {  	p0 =	seq.s32 s5, $0x0;
	s5 =	sld [smem:$0x3FAB]  }
0x2b: {  	s6 =	sld [smem:$0x3FAC]  }
0x2c: {  	s7 =	sld [smem:$0x3FAD]  }
0x2d: {  	s3 =	simm.s32 $0x108;
	s8 =	sld [smem:$0x3FAE]  }
0x2e: {  	s3 =	simm.s32 @!p0 $0x1082;
	s9 =	sld [smem:$0x3FAF]  }
0x2f: {  	lr =	sadd.s32 s0, s3;
	s0 =	sld [smem:$0x3FA6]  }
0x30: {  	s3 =	sld [smem:$0x3FA9]  }
0x31: {  	[smem:$0x3FB2] =	sst s10  }
0x32: {  	s10 =	sld [smem:$0x3FB0];
	_ =	sdelay $0x3  }
0x33: {  	p0 =	seq.s32 s10, $0x1;
	s10 =	sld [smem:$0x3FB2];
	_ =	sdelay $0x3  }
0x34: {  	[smem:$0x3FB2] =	sst s10  }
0x35: {  	s10 =	sld [smem:$0x3FB1];
	_ =	sdelay $0x3  }
0x36: {  	p1 =	seq.s32 s10, $0x1;
	s10 =	sld [smem:$0x3FB2];
	_ =	sdelay $0x3  }
0x37: {  	[smem:$0x3FB2] =	sst s10  }
0x38: {  	s10 =	sld [smem:$0x3FB3]  }
0x39: {  	_ = 	snop;
	(pc) =	sbr.ind lr, $3  }
0x3a: {  	_ = 	snop  }
0x3b: {  	_ = 	snop  }
0x3c: {  	p2 =	seq.s32 s10, $0x1;
	s10 =	sld [smem:$0x3FB2]  }
0x3d: {  	_ =	shalt  }
0x3e: {  	_ =	shalt  }
0x3f: {  	_ =	shalt  }
0x40: {  	_ =	shalt  }
0x41: {  	_ =	shalt  }
0x42: {  	_ =	shalt  }
0x43: {  	_ =	shalt  }
0x44: {  	_ =	shalt  }
0x45: {  	_ =	shalt  }
0x46: {  	_ =	shalt  }
0x47: {  	_ =	shalt  }
0x48: {  	_ =	shalt  }
0x49: {  	_ =	shalt  }
0x4a: {  	_ =	shalt  }
0x4b: {  	_ =	shalt  }
0x4c: {  	_ =	shalt  }
0x4d: {  	_ =	shalt  }
0x4e: {  	_ =	shalt  }
0x4f: {  	_ =	shalt  }
0x50: {  	_ =	shalt  }
0x51: {  	_ =	shalt  }
0x52: {  	_ =	shalt  }
0x53: {  	_ =	shalt  }
0x54: {  	_ =	shalt  }
0x55: {  	_ =	shalt  }
0x56: {  	_ =	shalt  }
0x57: {  	_ =	shalt  }
0x58: {  	_ =	shalt  }
0x59: {  	_ =	shalt  }
0x5a: {  	_ =	shalt  }
0x5b: {  	_ =	shalt  }
0x5c: {  	_ =	shalt  }
0x5d: {  	_ =	shalt  }
0x5e: {  	_ =	shalt  }
0x5f: {  	_ =	shalt  }
0x60: {  	_ =	shalt  }
0x61: {  	_ =	shalt  }
0x62: {  	_ =	shalt  }
0x63: {  	_ =	shalt  }
0x64: {  	_ =	shalt  }
0x65: {  	_ =	shalt  }
0x66: {  	_ =	shalt  }
0x67: {  	_ =	shalt  }
0x68: {  	_ =	shalt  }
0x69: {  	_ =	shalt  }
0x6a: {  	_ =	shalt  }
0x6b: {  	_ =	shalt  }
0x6c: {  	_ =	shalt  }
0x6d: {  	_ =	shalt  }
0x6e: {  	_ =	shalt  }
0x6f: {  	_ =	shalt  }
0x70: {  	_ =	shalt  }
0x71: {  	_ =	shalt  }
0x72: {  	_ =	shalt  }
0x73: {  	_ =	shalt  }
0x74: {  	_ =	shalt  }
0x75: {  	_ =	shalt  }
0x76: {  	_ =	shalt  }
0x77: {  	_ =	shalt  }
0x78: {  	_ =	shalt  }
0x79: {  	_ =	shalt  }
0x7a: {  	_ =	shalt  }
0x7b: {  	_ =	shalt  }
0x7c: {  	_ =	shalt  }
0x7d: {  	_ =	shalt  }
0x7e: {  	_ =	shalt  }
0x7f: {  	_ =	shalt  }
0x80: {  	_ =	shalt  }
0x81: {  	_ =	shalt  }
0x82: {  	_ =	shalt  }
0x83: {  	_ =	shalt  }
0x84: {  	_ =	shalt  }
0x85: {  	_ =	shalt  }
0x86: {  	_ =	shalt  }
0x87: {  	_ =	shalt  }
.Lfunc_end0:
.L_simem_size_0:
called_computation.2_lowered:
.L_overlay_start_0:
0x88: {  	s2 =	sld [smem:$0x3FD9]  }
0x89: {  	s3 =	sld [smem:$0x3FFE];
	_ =	sdelay $0x1  }
0x8a: {  	s1 =	srdreg.scid  }
0x8b: {  	s0 =	sand.u32 $0x1, s1  }
0x8c: {  	s14 =	sshll.u32 s0, $0xA;
	s2 =	sadd.s32 s3, s2  }
0x8d: {  	s2 =	sadd.s32 s2, s14  }
0x8e: {  	[smem:$0x3FBE] =	sst s2  }
0x8f: {  	_ = 	snop  }
0x90: {  	s2 =	sld [smem:$0x3FD0];
	_ =	sdelay $0x2  }
0x91: {  	s15 =	simm.s32 $0xA;
	s4 =	simm.s32 $0x10  }
0x92: {  	[smem:s4], [sflag:s15] =	dma.local [hbm:s2], $0x1  }
0x93: {  	_ =	swait.eq [sflag:s15], $0x1  }
0x94: {  	[sflag:s15] =	ssyncset.done $0x0  }
0x95: {  	[sflag:s15] =	ssyncadd.s32 $0xFFFFFFFF  }
0x96: {  	s16 =	sld [smem:$0x11];
	(tm) =	ssettm $0x1  }
0x97: {  	s17 =	sld [smem:$0x3FFB];
	_ =	sdelay $0x3  }
0x98: {  	_ =	strace s17  }
0x99: {  	s3 =	sld [smem:$0x3FFC];
	_ =	sdelay $0x3  }
0x9a: {  	_ =	strace s3  }
0x9b: {  	s3 =	sld [smem:$0x3FFD];
	_ =	sdelay $0x3  }
0x9c: {  	_ =	strace s3  }
0x9d: {  	_ =	strace $0x8FFFFFFF  }
0x9e: {  	s18 =	sld [smem:$0x3FDB];
	_ =	sdelay $0x1  }
0x9f: {  	s19 =	simm.s32 $_scs_section_size  }
0xa0: {  	s5 =	simm.s32 $_size__tile_overlayer_lowered;
	s6 =	simm.s32 $_tile_overlayer_lowered  }
0xa1: {  	s22 =	simm.s32 $0x1BFF;
	s21 =	sshll.u32 s6, $0x1;
	s3 =	sadd.s32 s19, s18  }
0xa2: {  	s7 =	simm.s32 $0x0;
	s20 =	sshll.u32 s5, $0x1;
	s5 =	sadd.s32 s21, s3  }
0xa3: {  	[timem:s7], [sflag:s22] =	dma.local [hbm:s5], s20  }
0xa4: {  	_ =	swait.ge [sflag:s22], s20  }
0xa5: {  	s4 =	ssub.s32 $0x0, s20;
	[sflag:s22] =	ssyncset.done $0x0  }
0xa6: {  	[sflag:s22] =	ssyncadd.s32 s4;
	_ =	sdelay $0x1  }
0xa7: {  	s23 =	simm.s32 $0x1B8B  }
0xa8: {  	_ =	swait.ge [sflag:s23], $0x1  }
0xa9: {  	[sflag:s23] =	ssyncset.done $0x0  }
0xaa: {  	s25 =	simm.s32 $0x1B8E;
	s24 =	sld [smem:$0x3FFE];
	[sflag:s23] =	ssyncadd.s32 $0xFFFFFFFF  }
0xab: {  	s26 =	simm.s32 $execute0_lowered;
	[smem:$0x3FD2] =	sst s25  }
0xac: {  	s5 =	sshll.u32 s26, $0x1;
	_ =	strace $0x8000004C;
	[dreg:$0x1] =	wrdreg $0xFFFFFFFF  }
0xad: {  	s28 =	simm.s32 $_size_execute0_lowered;
	s3 =	sadd.s32 s3, s5;
	[dreg:$0x0] =	wrdreg $0x0  }
0xae: {  	s5 =	sshll.u32 s28, $0x1;
	[dreg:$0x2] =	wrdreg s3  }
0xaf: {  	[dreg:$0x3] =	wrdreg s5  }
0xb0: {  	[dreg:$0x4] =	wrdreg $0xC0  }
0xb1: {  	_ =	task [dreg:s7], $0x5FFFF  }
0xb2: {  	[dreg:$0x1] =	wrdreg $0xFFFFFFFF  }
0xb3: {  	[dreg:$0x0] =	wrdreg $0x60  }
0xb4: {  	[dreg:$0x2] =	wrdreg s24  }
0xb5: {  	[dreg:$0x3] =	wrdreg s16  }
0xb6: {  	[dreg:$0x4] =	wrdreg $0x0  }
0xb7: {  	[dreg:$0x5] =	wrdreg $0x9  }
0xb8: {  	_ =	task.clear_ibuf [dreg:s7], $0x6FFFF;
	_ =	strace $0x9000004C  }
0xb9: {  	s29 =	simm.s32 $0x9;
	_ =	strace $0x8000004E  }
0xba: {  	_ =	swait.ge [sflag:s29], $0x1  }
0xbb: {  	[sflag:s29] =	ssyncadd.s32 $0xFFFFFFFF  }
0xbc: {  	_ =	strace $0x9000004E  }
0xbd: {  	_ =	sfence  }
0xbe: {  	s30 =	sld [smem:$0x0];
	_ =	sdelay $0x2  }
0xbf: {  	s31 =	sshll.u32 s1, $0xD;
	s1 =	sshrl.u32 s1, $0x2  }
0xc0: {  	s3 =	sand.u32 $0x4000, s31;
	s1 =	sadd.s32 s1, s30  }
0xc1: {  	s0 =	sor.u32 s3, s0;
	s1 =	sshll.u32 s1, $0x11  }
0xc2: {  	s0 =	sor.u32 s1, s0  }
0xc3: {  	s0 =	sadd.s32 $0x8F2B, s0  }
0xc4: {  	[sflag:s0] =	ssyncadd.remote.s32 $0x1  }
0xc5: {  	_ =	sfence.sel $0xFFFF  }
0xc6: {  	[dreg:$0x0] =	wrdreg $0xFFFFFFFF;
	(pc) =	sbr.abs _section_cstart, $3  }
0xc7: {  	[dreg:$0x1] =	wrdreg $0xFFFFFFFF  }
0xc8: {  	_ =	task.clear_ibuf [dreg:s7], $0x2FFFF;
	_ =	strace $0x9FFFFFFF  }
0xc9: {  	(tm) =	ssettm $0x7FFFFFFF  }
tec
execute0_lowered:
.L_overlay_start_1:
0x0: {  	(tag) =	ssettag $0x1  }
0x1: {  	s6 =	rddreg [dreg:$0x0]  }
0x2: {  	s2 =	rddreg [dreg:$0x1]  }
0x3: {  	s0 =	srdreg.scid;
	s3 =	rddreg [dreg:$0x2]  }
0x4: {  	s1 =	rddreg [dreg:$0x3];
	s4 =	simm.s32 $0x0;
	s15 =	simm.s32 $0x1480  }
0x5: {  	s16 =	simm.s32 $0x80;
	s17 =	simm.s32 $0x1500;
	s7 =	sand.u32 $0x1, s0  }
0x6: {  	s18 =	simm.s32 $0x1;
	s0 =	stileid.u32;
	s5 =	smul.u32 $0x27800, s7  }
0x7: {  	s21 =	simm.s32 $0x0;
	[smem:$0x7FF] =	sst s4;
	s8 =	smul.u32 $0x2780, s0  }
0x8: {  	s13 =	sadd.s32 $0x69A00, s6;
	s20 =	sadd.s32 $0x13800, s3;
	s28 =	smul.u32 $0x5000, s0  }
0x9: {  	_ =	strace $0x8000004D;
	s9 =	ssub.s32 $0x2, s7;
	s7 =	smul.u32 $0x13880, s7  }
0xa: {  	s12 =	smul.u32 $0x1380, s0;
	s29 =	sshll.u32 s0, $0x6;
	p0 =	sne.s32 s0, $0xF  }
0xb: {  	s10 =	sshrl.u32 s9, $0x1;
	s20 =	sshrl.u32 @!p0 s20, $0x3;
	s5 =	sadd.s32 s8, s5  }
0xc: {  	s8 =	sshrl.u32 s28, $0x2;
	s9 =	ssub.s32 s9, s10;
	s30 =	sadd.s32 s12, s7  }
0xd: {  	s7 =	sshrl.u32 s7, $0x3;
	s19 =	sadd.s32 s12, s3;
	s5 =	sshrl.u32 s5, $0x3  }
0xe: {  	s14 =	sadd.s32 s8, s3;
	s8 =	sshrl.u32 s30, $0x3;
	s31 =	sadd.s32 s13, s7  }
0xf: {  	s9 =	smax.u32 s9, $0x1;
	s19 =	sshrl.u32 s19, $0x3;
	s11 =	sadd.s32 s5, s6  }
0x10: {  	s5 =	sadd.s32 $0xCA00, s6;
	s6 =	sor.u32 $0x1C02, s29;
	s7 =	sadd.s32 s13, s8  }
0x11: {  	s8 =	sadd.s32 $0x2700, s31;
	s12 =	sshrl.u32 s14, $0x3;
	s13 =	simm.s32 $0x2  }
0x12: {  	s14 =	simm.s32 $0x1400;
	s10 =	sadd.s32 $0x2C00, s11;
	s11 =	sadd.s32 $0x11A00, s11  }
.LBB2_1:
0x13: {  	[spmem:s12], [sflag:s6] =	dma.local [hbm:s2], $0x280  }
0x14: {  	_ =	swait.ge [sflag:s13], $0x280  }
0x15: {  	[sflag:s13] =	ssyncset.done $0x0  }
0x16: {  	[sflag:s13] =	ssyncadd.s32 $0xFFFFFD80  }
0x17: {  	s22 =	sadd.s32 $0x0, s11;
	[bflag:$0x0] =	sbarrier.arrive $0xFFFF  }
0x18: {  	[tilespmem:s14], [sflag:$0x2] =	stream.linear.gather [hbm4b:s22+s4], $0x80, $0x38;
	[tilespmem:$0x1900] =	vst v63  }
0x19: {  	_ =	swait.ge [sflag:s13], $0x80  }
0x1a: {  	[sflag:s13] =	ssyncset.done $0x0  }
0x1b: {  	s31 =	sadd.s32 $0x0, s10;
	[sflag:s13] =	ssyncadd.s32 $0xFFFFFF80  }
0x1c: {  	[tilespmem:s15], [sflag:$0x2] =	stream.linear.gather [hbm4b:s31+s4], $0x80, $0x38;
	[tilespmem:$0x1900] =	vst v63  }
0x1d: {  	_ =	swait.ge [sflag:s13], $0x80  }
0x1e: {  	[sflag:s13] =	ssyncset.done $0x0  }
0x1f: {  	[sflag:s13] =	ssyncadd.s32 $0xFFFFFF80  }
0x20: {  	[tilespmem:s17], [sflag:$0x1] =	stream.indirect.gather [hbm4b:s5+s16], $0x8, s14, s16, $0xb8;
	[tilespmem:$0x1900] =	vst v63  }
0x21: {  	_ =	swait.ge [sflag:s18], $0x400  }
0x22: {  	[sflag:s18] =	ssyncset.done $0x0  }
0x23: {  	[sflag:s18] =	ssyncadd.s32 $0xFFFFFC00  }
0x24: {  	[spmem:s3] =	stream.indirect.scatter.add.f32 [tilespmem:s17], [sflag:$0x2], $0x8, s15, s16, $0xb8;
	[tilespmem:$0x1900] =	vst v63  }
0x25: {  	_ =	swait.ge [sflag:s13], $0x400  }
0x26: {  	s23 =	simm.s32 $0x20;
	s22 =	simm.s32 $0x10;
	[sflag:s13] =	ssyncset.done $0x0  }
.LBB2_2:
0x27: {  	s24 =	sadd.s32 s22, s11  }
0x28: {  	[sflag:s13] =	ssyncadd.s32 $0xFFFFFC00;
	s25 =	smov.u32 s23;
	s26 =	sadd.s32 $0x10, s23  }
0x29: {  	[tilespmem:s14], [sflag:$0x2] =	stream.linear.gather [hbm4b:s24+s4], $0x80, $0x38;
	[tilespmem:$0x1900] =	vst v63  }
0x2a: {  	p1 =	sne.s32 s23, $0x4E0;
	_ =	swait.ge [sflag:s13], $0x80  }
0x2b: {  	[sflag:s13] =	ssyncset.done $0x0  }
0x2c: {  	s23 =	sadd.s32 s22, s10;
	s22 =	smov.u32 s25;
	[sflag:s13] =	ssyncadd.s32 $0xFFFFFF80  }
0x2d: {  	[tilespmem:s15], [sflag:$0x2] =	stream.linear.gather [hbm4b:s23+s4], $0x80, $0x38;
	[tilespmem:$0x1900] =	vst v63  }
0x2e: {  	_ =	swait.ge [sflag:s13], $0x80  }
0x2f: {  	[sflag:s13] =	ssyncset.done $0x0  }
0x30: {  	[sflag:s13] =	ssyncadd.s32 $0xFFFFFF80  }
0x31: {  	[tilespmem:s17], [sflag:$0x1] =	stream.indirect.gather [hbm4b:s5+s16], $0x8, s14, s16, $0xb8;
	[tilespmem:$0x1900] =	vst v63  }
0x32: {  	_ =	swait.ge [sflag:s18], $0x400  }
.Ltmp0:
0x33: {  	[sflag:s18] =	ssyncset.done $0x0;
	(pc) =	sbr.rel @p1 .LBB2_2-.Ltmp0, $4  }
0x34: {  	[sflag:s18] =	ssyncadd.s32 $0xFFFFFC00  }
0x35: {  	[spmem:s3] =	stream.indirect.scatter.add.f32 [tilespmem:s17], [sflag:$0x2], $0x8, s15, s16, $0xb8;
	[tilespmem:$0x1900] =	vst v63  }
0x36: {  	_ =	swait.ge [sflag:s13], $0x400  }
0x37: {  	s23 =	smov.u32 s26;
	[sflag:s13] =	ssyncset.done $0x0  }
0x38: {  	s23 =	sadd.s32 s22, s11;
	[sflag:s13] =	ssyncadd.s32 $0xFFFFFC00  }
0x39: {  	[tilespmem:s14], [sflag:$0x2] =	stream.linear.gather [hbm4b:s23+s4], $0x80, $0x38;
	[tilespmem:$0x1900] =	vst v63  }
0x3a: {  	_ =	swait.ge [sflag:s13], $0x80  }
0x3b: {  	[sflag:s13] =	ssyncset.done $0x0  }
0x3c: {  	s31 =	sadd.s32 s22, s10;
	[sflag:s13] =	ssyncadd.s32 $0xFFFFFF80  }
0x3d: {  	[tilespmem:s15], [sflag:$0x2] =	stream.linear.gather [hbm4b:s31+s4], $0x80, $0x38;
	[tilespmem:$0x1900] =	vst v63  }
0x3e: {  	_ =	swait.ge [sflag:s13], $0x80  }
0x3f: {  	[sflag:s13] =	ssyncset.done $0x0  }
0x40: {  	[sflag:s13] =	ssyncadd.s32 $0xFFFFFF80  }
0x41: {  	[tilespmem:s17], [sflag:$0x1] =	stream.indirect.gather [hbm4b:s5+s16], $0x8, s14, s16, $0xb8;
	[tilespmem:$0x1900] =	vst v63  }
0x42: {  	_ =	swait.ge [sflag:s18], $0x400  }
0x43: {  	[sflag:s18] =	ssyncset.done $0x0  }
0x44: {  	[sflag:s18] =	ssyncadd.s32 $0xFFFFFC00  }
0x45: {  	[spmem:s3] =	stream.indirect.scatter.add.f32 [tilespmem:s17], [sflag:$0x2], $0x8, s15, s16, $0xb8;
	[tilespmem:$0x1900] =	vst v63  }
0x46: {  	_ =	swait.ge [sflag:s13], $0x400  }
0x47: {  	[sflag:s13] =	ssyncset.done $0x0  }
0x48: {  	[sflag:s13] =	ssyncadd.s32 $0xFFFFFC00  }
0x49: {  	[bflag:$0x0] =	sbarrier.arrive $0xFFFF  }
0x4a: {  	[hbm:s7], [sflag:s6] =	dma.local [spmem:s19], $0x270  }
0x4b: {  	s21 =	sadd.s32 $0x1, s21;
	_ =	swait.ge [sflag:s13], $0x270  }
0x4c: {  	p1 =	sne.s32 s21, s9;
	[sflag:s13] =	ssyncset.done $0x0  }
.Ltmp1:
0x4d: {  	s22 =	simm.s32 @!p0 $0x2;
	[sflag:s13] =	ssyncadd.s32 $0xFFFFFD90;
	(pc) =	sbr.rel @p1 .LBB2_1-.Ltmp1, $4  }
0x4e: {  	[hbm:s8], [sflag:s6] =	dma.local @!p0 [spmem:s20], $0x10  }
0x4f: {  	_ =	swait.ge @!p0 [sflag:s22], $0x10  }
0x50: {  	[sflag:s22] =	ssyncset.done @!p0 $0x0  }
0x51: {  	[sflag:s22] =	ssyncadd.s32 @!p0 $0xFFFFFFF0  }
0x52: {  	_ =	sfence.sel $0x180000  }
0x53: {  	[bflag:$0x0] =	sbarrier.arrive $0xFFFF  }
0x54: {  	p0 =	sne.s32 s0, $0x0;
	_ =	strace $0x9000004D  }
0x55: {  	s0 =	sadd.s32 @!p0 $0x100000, s1;
	[bflag:$0x2] =	sbarrier.arrive $0xFFFF  }
0x56: {  	[sflag:s0] =	ssyncadd.tile.s32 @!p0 $0x1;
	_ =	shalt  }
.Lfunc_end2:
_tile_overlayer_lowered:
.L_overlay_start_2:
0x57: {  	(tag) =	ssettag $0x2  }
0x58: {  	s0 =	rddreg [dreg:$0x0];
	s2 =	stileid.u32  }
0x59: {  	s1 =	rddreg [dreg:$0x1];
	p0 =	sne.s32 s2, $0x0  }
0x5a: {  	s3 =	rddreg [dreg:$0x2];
	[bflag:$0x3] =	sbarrier.arrive $0xFFFF;
	s2 =	simm.s32 @!p0 $0x1C02  }
0x5b: {  	[timem:s3], [sflag:s2] =	dma.local @!p0 [hbm:s0], s1  }
0x5c: {  	s0 =	simm.s32 @!p0 $0x2  }
0x5d: {  	_ =	swait.ge @!p0 [sflag:s0], s1  }
0x5e: {  	s1 =	ssub.s32 @!p0 $0x0, s1;
	[sflag:s0] =	ssyncset.done @!p0 $0x0  }
0x5f: {  	[sflag:s0] =	ssyncadd.s32 @!p0 s1  }
0x60: {  	[bflag:$0x3] =	sbarrier.arrive $0xFFFF  }
0x61: {  	_ =	shalt  }

</sc_bundles>
